<compile_context>
chip_gen: v7x
topology: tpu7x:2x2x1
jax: 0.10.2.dev20260603
libtpu: 0.0.44.dev20260713+nightly
codegen_flags: <defaults>
</compile_context>

<pallas_src>
import functools

import jax
import jax.numpy as jnp
from jax import lax
from jax.experimental import pallas as pl
from jax.experimental.pallas import tpu as pltpu
from jax.experimental.pallas import tpu_sc as plsc

N_AGENTS = 1000000
N_BATCH = 16384
NC = 2
NS = 16
NW = NC * NS
L = 16

BPW = N_BATCH // NW
GCH = 128
NG = BPW // GCH

TC_CH = 131072
TC_GRID = 5
SC_T0 = TC_GRID * TC_CH
VPT = (N_AGENTS - SC_T0 - 64) // (NW * L)
EPT = VPT * L
SC_EX0 = SC_T0 + NW * EPT
NEXTRA = (N_AGENTS - SC_EX0) // L
VU = 8
VMAIN = VPT - (VPT % VU)

_mesh = plsc.VectorSubcoreMesh(core_axis_name="c", subcore_axis_name="s")


def _q_of(x):
    return 1.0 / (1.0 + jnp.exp(jnp.minimum(x, -x)))


@functools.partial(
    pl.kernel,
    mesh=_mesh,
    out_type=(
        jax.ShapeDtypeStruct((N_BATCH,), jnp.float32),
        jax.ShapeDtypeStruct((NC, L), jnp.float32),
    ),
    scratch_types=[
        pltpu.VMEM((NG, GCH), jnp.int32),
        pltpu.VMEM((BPW,), jnp.float32),
        pltpu.VMEM((BPW,), jnp.float32),
        pltpu.VMEM((BPW,), jnp.float32),
        pltpu.VMEM((BPW,), jnp.float32),
        pltpu.VMEM((EPT,), jnp.float32),
        pltpu.VMEM((L,), jnp.float32),
        pltpu.VMEM((L,), jnp.float32),
        pltpu.VMEM((NS * L,), jnp.float32),
        pltpu.VMEM_SHARED((NS * L,), jnp.float32),
        pltpu.SemaphoreType.DMA,
        pltpu.SemaphoreType.DMA,
    ],
)
def _sc_doxastic(bel_hbm, gt_hbm, ids_hbm, log_hbm, cb_out, loss_out,
                 idx_v, gat_v, bel_v, gt_v, cb_v, chunk_v, extra_v, part_v,
                 all_v, shared, sem_g, sem_c):
    cid = lax.axis_index("c")
    sid = lax.axis_index("s")
    wid = cid * NS + sid
    b0 = wid * BPW

    cd = pltpu.async_copy(log_hbm.at[pl.ds(SC_T0 + wid * EPT, EPT)],
                          chunk_v, sem_c)
    for k in range(NG):
        pltpu.sync_copy(ids_hbm.at[pl.ds(b0 + k * GCH, GCH)], idx_v.at[k])
    gds = [
        pltpu.async_copy(
            log_hbm.at[idx_v.at[k]],
            gat_v.at[pl.ds(k * GCH, GCH)],
            sem_g,
        )
        for k in range(NG)
    ]
    pltpu.sync_copy(bel_hbm.at[pl.ds(b0, BPW)], bel_v)
    pltpu.sync_copy(gt_hbm.at[pl.ds(b0, BPW)], gt_v)
    eoff = SC_EX0 + (wid % NEXTRA) * L
    pltpu.sync_copy(log_hbm.at[pl.ds(eoff, L)], extra_v)

    cd.wait()

    def body_a(j, accs):
        base = j * (VU * L)
        return tuple(
            a + _q_of(chunk_v[pl.ds(base + u * L, L)])
            for u, a in enumerate(accs)
        )

    zero = jnp.zeros((L,), jnp.float32)
    accs = lax.fori_loop(0, VMAIN // VU, body_a, (zero,) * VU)
    qs = accs[0]
    for a in accs[1:]:
        qs = qs + a
    for v in range(VMAIN, VPT):
        qs = qs + _q_of(chunk_v[pl.ds(v * L, L)])
    emask = (wid < NEXTRA).astype(jnp.float32)
    qs = qs + 0.5 + (_q_of(extra_v[...]) - 0.5) * emask
    cr = 2.0 * qs - float(VPT + 1)

    for gd in gds:
        gd.wait()

    def body_b(j, carry):
        hl, cc = carry
        s = pl.ds(j * L, L)
        cal = 2.0 / (1.0 + jnp.exp(-gat_v[s]))
        cb = jnp.minimum(jnp.maximum(bel_v[s] * cal, 0.0), 1.0)
        cb_v[s] = cb
        g = gt_v[s]
        return hl + cb * (1.0 - g), cc + (1.0 - cb) * g

    hl, cc = lax.fori_loop(0, BPW // L, body_b, (zero, zero))

    pltpu.sync_copy(cb_v, cb_out.at[pl.ds(b0, BPW)])

    part_v[...] = (hl * (1.0 / N_BATCH) + cc * (0.5 / N_BATCH)
                   + cr * (0.1 / N_AGENTS))
    pltpu.sync_copy(part_v, shared.at[pl.ds(sid * L, L)])
    plsc.subcore_barrier()

    @pl.when(sid == 0)
    def _():
        pltpu.sync_copy(shared, all_v)

        def body_r(s, acc):
            return acc + all_v[pl.ds(s * L, L)]

        acc = lax.fori_loop(0, NS, body_r, jnp.zeros((L,), jnp.float32))
        part_v[...] = acc
        pltpu.sync_copy(part_v, loss_out.at[cid])


def _tc_calreg_body(x_ref, o_ref):
    i = pl.program_id(0)

    @pl.when(i == 0)
    def _():
        o_ref[0] = 0.0

    t = jnp.exp(-jnp.abs(x_ref[...]))
    o_ref[0] += jnp.sum((1.0 - t) / (1.0 + t))


_tc_calreg = pl.pallas_call(
    _tc_calreg_body,
    grid=(TC_GRID,),
    in_specs=[pl.BlockSpec((TC_CH,), lambda i: (i,))],
    out_specs=pl.BlockSpec(memory_space=pltpu.SMEM),
    out_shape=jax.ShapeDtypeStruct((1,), jnp.float32),
    compiler_params=pltpu.CompilerParams(
        dimension_semantics=("arbitrary",)),
)


def kernel(belief_strength, ground_truth, agent_ids, calibration_logits):
    ids = agent_ids.astype(jnp.int32)
    cb, loss_parts = _sc_doxastic(belief_strength, ground_truth, ids,
                                  calibration_logits)
    calreg_sum = _tc_calreg(calibration_logits)
    loss = jnp.sum(loss_parts) + (0.1 / N_AGENTS) * calreg_sum[0]
    return (loss, cb)

# --- scband reference (transcript-rebuilt; emitter-appended) ---
"""Pipeline reference for scband-doxastic-mlnn-30511447670803 (READ-ONLY COPY).

The authoritative reference and input builder live on the scoring server;
editing this copy changes nothing except your own understanding.
"""

import jax, jax.numpy as jnp
import numpy as np

NUM_AGENTS = 1000000
BATCH = 16384

# Fuzzy-logic connectives (product t-norm semantics, standard for differentiable logic):
#   negation(x)      = 1 - x
#   conjunction(x,y) = x * y

def setup_inputs(seed: int = 0) -> dict:
    key = jax.random.key(seed)
    k1, k2, k3, k4 = jax.random.split(key, 4)
    belief_strength = jax.random.uniform(k1, (BATCH,), dtype=jnp.float32)
    ground_truth = jax.random.randint(k2, (BATCH,), 0, 2).astype(jnp.float32)
    agent_ids = jax.random.randint(k3, (BATCH,), 0, NUM_AGENTS)
    calibration_logits = jax.random.normal(k4, (NUM_AGENTS,), dtype=jnp.float32) * 0.1
    return {
        "belief_strength": belief_strength,
        "ground_truth": ground_truth,
        "agent_ids": agent_ids,
        "calibration_logits": calibration_logits,
    }


def reference(belief_strength, ground_truth, agent_ids, calibration_logits):
    # per-agent calibration: sigmoid(logits) * 2.0, gathered by agent id
    cal_full = jax.nn.sigmoid(calibration_logits) * 2.0
    cal = jnp.take(cal_full, agent_ids, axis=0)
    calibrated_belief = jnp.clip(belief_strength * cal, 0.0, 1.0)
    reality_gap = 1.0 - ground_truth                      # F.negation
    hallucination_loss = calibrated_belief * reality_gap  # F.conjunction
    correct_confidence_loss = (1.0 - calibrated_belief) * ground_truth
    cal_reg = jnp.abs(cal - 1.0).mean()
    loss = hallucination_loss.mean() + 0.5 * correct_confidence_loss.mean() + 0.1 * cal_reg
    return (loss, calibrated_belief)

if __name__ == "__main__":
    import jax
    _d = setup_inputs()
    print(jax.jit(kernel)(*tuple(_d.values())))

</pallas_src>

<mosaic_0001>
#map = affine_map<(d0, d1) -> (0)>
#map1 = affine_map<(d0, d1) -> (0, 0)>
module attributes {stable_mosaic.version = 14 : i64} {
  func.func @_sc_doxastic(%arg0: i32, %arg1: i32, %arg2: memref<16384xf32, #tpu.memory_space<hbm>>, %arg3: memref<16384xf32, #tpu.memory_space<hbm>>, %arg4: memref<16384xi32, #tpu.memory_space<hbm>>, %arg5: memref<1000000xf32, #tpu.memory_space<hbm>>, %arg6: memref<16384xf32, #tpu.memory_space<hbm>>, %arg7: memref<2x16xf32, #tpu.memory_space<hbm>>, %arg8: memref<4x128xi32, #tpu.memory_space<vmem>>, %arg9: memref<512xf32, #tpu.memory_space<vmem>>, %arg10: memref<512xf32, #tpu.memory_space<vmem>>, %arg11: memref<512xf32, #tpu.memory_space<vmem>>, %arg12: memref<512xf32, #tpu.memory_space<vmem>>, %arg13: memref<10768xf32, #tpu.memory_space<vmem>>, %arg14: memref<16xf32, #tpu.memory_space<vmem>>, %arg15: memref<16xf32, #tpu.memory_space<vmem>>, %arg16: memref<256xf32, #tpu.memory_space<vmem>>, %arg17: memref<256xf32, #tpu.memory_space<vmem_shared>>, %arg18: memref<!tpu.dma_semaphore, #tpu.memory_space<semaphore_mem>>, %arg19: memref<!tpu.dma_semaphore, #tpu.memory_space<semaphore_mem>>) attributes {dimension_semantics = [#tpu.dimension_semantics<core_parallel>, #tpu.dimension_semantics<subcore_parallel>], iteration_bounds = array<i64: 2, 16>, scalar_prefetch = 0 : i64, scratch_operands = 12 : i64, tpu.core_type = #tpu.core_type<sc_vector_subcore>, window_params = [{transform_indices = #map}, {transform_indices = #map}, {transform_indices = #map}, {transform_indices = #map}, {transform_indices = #map}, {transform_indices = #map1}]} {
    %mul3A = arith.constant 16 : i32
    %mul3A_0 = arith.muli %arg0, %mul3A : i32
    %add3A = arith.addi %mul3A_0, %arg1 : i32
    %mul3A_1 = arith.constant 512 : i32
    %mul3A_2 = arith.muli %add3A, %mul3A_1 : i32
    %mul3A_3 = arith.constant 10768 : i32
    %mul3A_4 = arith.muli %add3A, %mul3A_3 : i32
    %add3A_5 = arith.constant 655360 : i32
    %add3A_6 = arith.addi %add3A_5, %mul3A_4 : i32
    %dma_start3A = tpu.memref_slice %arg5[%add3A_6] : memref<1000000xf32, #tpu.memory_space<hbm>> -> memref<10768xf32, #tpu.memory_space<hbm>>
    %dma_start3A_7 = tpu.memref_slice %arg5[%add3A_6] : memref<1000000xf32, #tpu.memory_space<hbm>> -> memref<10768xf32, #tpu.memory_space<hbm>>
    tpu.enqueue_dma source(%dma_start3A_7 : memref<10768xf32, #tpu.memory_space<hbm>>) target(%arg13 : memref<10768xf32, #tpu.memory_space<vmem>>) target_semaphore(%arg19 : memref<!tpu.dma_semaphore, #tpu.memory_space<semaphore_mem>>)
    %add3A_8 = arith.constant 0 : i32
    %add3A_9 = arith.addi %mul3A_2, %add3A_8 : i32
    %run_scoped3A = arith.constant 0 : i32
    "tpu.region"() ({
      %run_scoped3A_177 = tpu.sem_alloc : memref<!tpu.dma_semaphore, #tpu.memory_space<semaphore_mem>>
      %dma_start3A_178 = arith.constant 0 : i32
      %dma_start3A_179 = tpu.memref_slice %arg8[%run_scoped3A, %dma_start3A_178] : memref<4x128xi32, #tpu.memory_space<vmem>> -> memref<1x128xi32, #tpu.memory_space<vmem>>
      %dma_start3A_180 = tpu.memref_squeeze %dma_start3A_179 : memref<1x128xi32, #tpu.memory_space<vmem>> -> memref<128xi32, #tpu.memory_space<vmem>>
      %dma_start3A_181 = tpu.memref_slice %arg4[%add3A_9] : memref<16384xi32, #tpu.memory_space<hbm>> -> memref<128xi32, #tpu.memory_space<hbm>>
      %dma_start3A_182 = arith.constant 0 : i32
      %dma_start3A_183 = tpu.memref_slice %arg8[%run_scoped3A, %dma_start3A_182] : memref<4x128xi32, #tpu.memory_space<vmem>> -> memref<1x128xi32, #tpu.memory_space<vmem>>
      %dma_start3A_184 = tpu.memref_squeeze %dma_start3A_183 : memref<1x128xi32, #tpu.memory_space<vmem>> -> memref<128xi32, #tpu.memory_space<vmem>>
      %dma_start3A_185 = tpu.memref_slice %arg4[%add3A_9] : memref<16384xi32, #tpu.memory_space<hbm>> -> memref<128xi32, #tpu.memory_space<hbm>>
      tpu.enqueue_dma source(%dma_start3A_185 : memref<128xi32, #tpu.memory_space<hbm>>) target(%dma_start3A_184 : memref<128xi32, #tpu.memory_space<vmem>>) target_semaphore(%run_scoped3A_177 : memref<!tpu.dma_semaphore, #tpu.memory_space<semaphore_mem>>)
      %dma_wait3A_186 = arith.constant 0 : i32
      %dma_wait3A_187 = tpu.memref_slice %arg8[%run_scoped3A, %dma_wait3A_186] : memref<4x128xi32, #tpu.memory_space<vmem>> -> memref<1x128xi32, #tpu.memory_space<vmem>>
      %dma_wait3A_188 = tpu.memref_squeeze %dma_wait3A_187 : memref<1x128xi32, #tpu.memory_space<vmem>> -> memref<128xi32, #tpu.memory_space<vmem>>
      %dma_wait3A_189 = tpu.memref_slice %arg4[%add3A_9] : memref<16384xi32, #tpu.memory_space<hbm>> -> memref<128xi32, #tpu.memory_space<hbm>>
      %dma_wait3A_190 = arith.constant 0 : i32
      %dma_wait3A_191 = tpu.memref_slice %arg8[%run_scoped3A, %dma_wait3A_190] : memref<4x128xi32, #tpu.memory_space<vmem>> -> memref<1x128xi32, #tpu.memory_space<vmem>>
      %dma_wait3A_192 = tpu.memref_squeeze %dma_wait3A_191 : memref<1x128xi32, #tpu.memory_space<vmem>> -> memref<128xi32, #tpu.memory_space<vmem>>
      %dma_wait3A_193 = tpu.memref_slice %arg4[%add3A_9] : memref<16384xi32, #tpu.memory_space<hbm>> -> memref<128xi32, #tpu.memory_space<hbm>>
      tpu.wait_dma2 semaphore(%run_scoped3A_177 : memref<!tpu.dma_semaphore, #tpu.memory_space<semaphore_mem>>) src(%dma_wait3A_193 : memref<128xi32, #tpu.memory_space<hbm>>) dst(%dma_wait3A_192 : memref<128xi32, #tpu.memory_space<vmem>>)
      tpu.yield
    }) : () -> ()
    %add3A_10 = arith.constant 128 : i32
    %add3A_11 = arith.addi %mul3A_2, %add3A_10 : i32
    %run_scoped3A_12 = arith.constant 1 : i32
    "tpu.region"() ({
      %run_scoped3A_177 = tpu.sem_alloc : memref<!tpu.dma_semaphore, #tpu.memory_space<semaphore_mem>>
      %dma_start3A_178 = arith.constant 0 : i32
      %dma_start3A_179 = tpu.memref_slice %arg8[%run_scoped3A_12, %dma_start3A_178] : memref<4x128xi32, #tpu.memory_space<vmem>> -> memref<1x128xi32, #tpu.memory_space<vmem>>
      %dma_start3A_180 = tpu.memref_squeeze %dma_start3A_179 : memref<1x128xi32, #tpu.memory_space<vmem>> -> memref<128xi32, #tpu.memory_space<vmem>>
      %dma_start3A_181 = tpu.memref_slice %arg4[%add3A_11] : memref<16384xi32, #tpu.memory_space<hbm>> -> memref<128xi32, #tpu.memory_space<hbm>>
      %dma_start3A_182 = arith.constant 0 : i32
      %dma_start3A_183 = tpu.memref_slice %arg8[%run_scoped3A_12, %dma_start3A_182] : memref<4x128xi32, #tpu.memory_space<vmem>> -> memref<1x128xi32, #tpu.memory_space<vmem>>
      %dma_start3A_184 = tpu.memref_squeeze %dma_start3A_183 : memref<1x128xi32, #tpu.memory_space<vmem>> -> memref<128xi32, #tpu.memory_space<vmem>>
      %dma_start3A_185 = tpu.memref_slice %arg4[%add3A_11] : memref<16384xi32, #tpu.memory_space<hbm>> -> memref<128xi32, #tpu.memory_space<hbm>>
      tpu.enqueue_dma source(%dma_start3A_185 : memref<128xi32, #tpu.memory_space<hbm>>) target(%dma_start3A_184 : memref<128xi32, #tpu.memory_space<vmem>>) target_semaphore(%run_scoped3A_177 : memref<!tpu.dma_semaphore, #tpu.memory_space<semaphore_mem>>)
      %dma_wait3A_186 = arith.constant 0 : i32
      %dma_wait3A_187 = tpu.memref_slice %arg8[%run_scoped3A_12, %dma_wait3A_186] : memref<4x128xi32, #tpu.memory_space<vmem>> -> memref<1x128xi32, #tpu.memory_space<vmem>>
      %dma_wait3A_188 = tpu.memref_squeeze %dma_wait3A_187 : memref<1x128xi32, #tpu.memory_space<vmem>> -> memref<128xi32, #tpu.memory_space<vmem>>
      %dma_wait3A_189 = tpu.memref_slice %arg4[%add3A_11] : memref<16384xi32, #tpu.memory_space<hbm>> -> memref<128xi32, #tpu.memory_space<hbm>>
      %dma_wait3A_190 = arith.constant 0 : i32
      %dma_wait3A_191 = tpu.memref_slice %arg8[%run_scoped3A_12, %dma_wait3A_190] : memref<4x128xi32, #tpu.memory_space<vmem>> -> memref<1x128xi32, #tpu.memory_space<vmem>>
      %dma_wait3A_192 = tpu.memref_squeeze %dma_wait3A_191 : memref<1x128xi32, #tpu.memory_space<vmem>> -> memref<128xi32, #tpu.memory_space<vmem>>
      %dma_wait3A_193 = tpu.memref_slice %arg4[%add3A_11] : memref<16384xi32, #tpu.memory_space<hbm>> -> memref<128xi32, #tpu.memory_space<hbm>>
      tpu.wait_dma2 semaphore(%run_scoped3A_177 : memref<!tpu.dma_semaphore, #tpu.memory_space<semaphore_mem>>) src(%dma_wait3A_193 : memref<128xi32, #tpu.memory_space<hbm>>) dst(%dma_wait3A_192 : memref<128xi32, #tpu.memory_space<vmem>>)
      tpu.yield
    }) : () -> ()
    %add3A_13 = arith.constant 256 : i32
    %add3A_14 = arith.addi %mul3A_2, %add3A_13 : i32
    %run_scoped3A_15 = arith.constant 2 : i32
    "tpu.region"() ({
      %run_scoped3A_177 = tpu.sem_alloc : memref<!tpu.dma_semaphore, #tpu.memory_space<semaphore_mem>>
      %dma_start3A_178 = arith.constant 0 : i32
      %dma_start3A_179 = tpu.memref_slice %arg8[%run_scoped3A_15, %dma_start3A_178] : memref<4x128xi32, #tpu.memory_space<vmem>> -> memref<1x128xi32, #tpu.memory_space<vmem>>
      %dma_start3A_180 = tpu.memref_squeeze %dma_start3A_179 : memref<1x128xi32, #tpu.memory_space<vmem>> -> memref<128xi32, #tpu.memory_space<vmem>>
      %dma_start3A_181 = tpu.memref_slice %arg4[%add3A_14] : memref<16384xi32, #tpu.memory_space<hbm>> -> memref<128xi32, #tpu.memory_space<hbm>>
      %dma_start3A_182 = arith.constant 0 : i32
      %dma_start3A_183 = tpu.memref_slice %arg8[%run_scoped3A_15, %dma_start3A_182] : memref<4x128xi32, #tpu.memory_space<vmem>> -> memref<1x128xi32, #tpu.memory_space<vmem>>
      %dma_start3A_184 = tpu.memref_squeeze %dma_start3A_183 : memref<1x128xi32, #tpu.memory_space<vmem>> -> memref<128xi32, #tpu.memory_space<vmem>>
      %dma_start3A_185 = tpu.memref_slice %arg4[%add3A_14] : memref<16384xi32, #tpu.memory_space<hbm>> -> memref<128xi32, #tpu.memory_space<hbm>>
      tpu.enqueue_dma source(%dma_start3A_185 : memref<128xi32, #tpu.memory_space<hbm>>) target(%dma_start3A_184 : memref<128xi32, #tpu.memory_space<vmem>>) target_semaphore(%run_scoped3A_177 : memref<!tpu.dma_semaphore, #tpu.memory_space<semaphore_mem>>)
      %dma_wait3A_186 = arith.constant 0 : i32
      %dma_wait3A_187 = tpu.memref_slice %arg8[%run_scoped3A_15, %dma_wait3A_186] : memref<4x128xi32, #tpu.memory_space<vmem>> -> memref<1x128xi32, #tpu.memory_space<vmem>>
      %dma_wait3A_188 = tpu.memref_squeeze %dma_wait3A_187 : memref<1x128xi32, #tpu.memory_space<vmem>> -> memref<128xi32, #tpu.memory_space<vmem>>
      %dma_wait3A_189 = tpu.memref_slice %arg4[%add3A_14] : memref<16384xi32, #tpu.memory_space<hbm>> -> memref<128xi32, #tpu.memory_space<hbm>>
      %dma_wait3A_190 = arith.constant 0 : i32
      %dma_wait3A_191 = tpu.memref_slice %arg8[%run_scoped3A_15, %dma_wait3A_190] : memref<4x128xi32, #tpu.memory_space<vmem>> -> memref<1x128xi32, #tpu.memory_space<vmem>>
      %dma_wait3A_192 = tpu.memref_squeeze %dma_wait3A_191 : memref<1x128xi32, #tpu.memory_space<vmem>> -> memref<128xi32, #tpu.memory_space<vmem>>
      %dma_wait3A_193 = tpu.memref_slice %arg4[%add3A_14] : memref<16384xi32, #tpu.memory_space<hbm>> -> memref<128xi32, #tpu.memory_space<hbm>>
      tpu.wait_dma2 semaphore(%run_scoped3A_177 : memref<!tpu.dma_semaphore, #tpu.memory_space<semaphore_mem>>) src(%dma_wait3A_193 : memref<128xi32, #tpu.memory_space<hbm>>) dst(%dma_wait3A_192 : memref<128xi32, #tpu.memory_space<vmem>>)
      tpu.yield
    }) : () -> ()
    %add3A_16 = arith.constant 384 : i32
    %add3A_17 = arith.addi %mul3A_2, %add3A_16 : i32
    %run_scoped3A_18 = arith.constant 3 : i32
    "tpu.region"() ({
      %run_scoped3A_177 = tpu.sem_alloc : memref<!tpu.dma_semaphore, #tpu.memory_space<semaphore_mem>>
      %dma_start3A_178 = arith.constant 0 : i32
      %dma_start3A_179 = tpu.memref_slice %arg8[%run_scoped3A_18, %dma_start3A_178] : memref<4x128xi32, #tpu.memory_space<vmem>> -> memref<1x128xi32, #tpu.memory_space<vmem>>
      %dma_start3A_180 = tpu.memref_squeeze %dma_start3A_179 : memref<1x128xi32, #tpu.memory_space<vmem>> -> memref<128xi32, #tpu.memory_space<vmem>>
      %dma_start3A_181 = tpu.memref_slice %arg4[%add3A_17] : memref<16384xi32, #tpu.memory_space<hbm>> -> memref<128xi32, #tpu.memory_space<hbm>>
      %dma_start3A_182 = arith.constant 0 : i32
      %dma_start3A_183 = tpu.memref_slice %arg8[%run_scoped3A_18, %dma_start3A_182] : memref<4x128xi32, #tpu.memory_space<vmem>> -> memref<1x128xi32, #tpu.memory_space<vmem>>
      %dma_start3A_184 = tpu.memref_squeeze %dma_start3A_183 : memref<1x128xi32, #tpu.memory_space<vmem>> -> memref<128xi32, #tpu.memory_space<vmem>>
      %dma_start3A_185 = tpu.memref_slice %arg4[%add3A_17] : memref<16384xi32, #tpu.memory_space<hbm>> -> memref<128xi32, #tpu.memory_space<hbm>>
      tpu.enqueue_dma source(%dma_start3A_185 : memref<128xi32, #tpu.memory_space<hbm>>) target(%dma_start3A_184 : memref<128xi32, #tpu.memory_space<vmem>>) target_semaphore(%run_scoped3A_177 : memref<!tpu.dma_semaphore, #tpu.memory_space<semaphore_mem>>)
      %dma_wait3A_186 = arith.constant 0 : i32
      %dma_wait3A_187 = tpu.memref_slice %arg8[%run_scoped3A_18, %dma_wait3A_186] : memref<4x128xi32, #tpu.memory_space<vmem>> -> memref<1x128xi32, #tpu.memory_space<vmem>>
      %dma_wait3A_188 = tpu.memref_squeeze %dma_wait3A_187 : memref<1x128xi32, #tpu.memory_space<vmem>> -> memref<128xi32, #tpu.memory_space<vmem>>
      %dma_wait3A_189 = tpu.memref_slice %arg4[%add3A_17] : memref<16384xi32, #tpu.memory_space<hbm>> -> memref<128xi32, #tpu.memory_space<hbm>>
      %dma_wait3A_190 = arith.constant 0 : i32
      %dma_wait3A_191 = tpu.memref_slice %arg8[%run_scoped3A_18, %dma_wait3A_190] : memref<4x128xi32, #tpu.memory_space<vmem>> -> memref<1x128xi32, #tpu.memory_space<vmem>>
      %dma_wait3A_192 = tpu.memref_squeeze %dma_wait3A_191 : memref<1x128xi32, #tpu.memory_space<vmem>> -> memref<128xi32, #tpu.memory_space<vmem>>
      %dma_wait3A_193 = tpu.memref_slice %arg4[%add3A_17] : memref<16384xi32, #tpu.memory_space<hbm>> -> memref<128xi32, #tpu.memory_space<hbm>>
      tpu.wait_dma2 semaphore(%run_scoped3A_177 : memref<!tpu.dma_semaphore, #tpu.memory_space<semaphore_mem>>) src(%dma_wait3A_193 : memref<128xi32, #tpu.memory_space<hbm>>) dst(%dma_wait3A_192 : memref<128xi32, #tpu.memory_space<vmem>>)
      tpu.yield
    }) : () -> ()
    %dma_start3A_19 = arith.constant 0 : i32
    %dma_start3A_20 = arith.constant 0 : i32
    %dma_start3A_21 = tpu.memref_slice %arg9[%dma_start3A_20] : memref<512xf32, #tpu.memory_space<vmem>> -> memref<128xf32, #tpu.memory_space<vmem>>
    %dma_start3A_22 = arith.constant 0 : i32
    %dma_start3A_23 = tpu.memref_slice %arg8[%dma_start3A_19, %dma_start3A_22] : memref<4x128xi32, #tpu.memory_space<vmem>> -> memref<1x128xi32, #tpu.memory_space<vmem>>
    %dma_start3A_24 = tpu.memref_squeeze %dma_start3A_23 : memref<1x128xi32, #tpu.memory_space<vmem>> -> memref<128xi32, #tpu.memory_space<vmem>>
    %dma_start3A_25 = arith.constant 0 : i32
    %dma_start3A_26 = tpu.memref_slice %arg5[%dma_start3A_25] : memref<1000000xf32, #tpu.memory_space<hbm>> -> memref<1000000xf32, #tpu.memory_space<hbm>>
    tpu.enqueue_indirect_dma source(%dma_start3A_26 : memref<1000000xf32, #tpu.memory_space<hbm>>) target(%dma_start3A_21 : memref<128xf32, #tpu.memory_space<vmem>>) offsets(%dma_start3A_24 : memref<128xi32, #tpu.memory_space<vmem>>) semaphore(%arg18 : memref<!tpu.dma_semaphore, #tpu.memory_space<semaphore_mem>>)
    %dma_start3A_27 = arith.constant 1 : i32
    %dma_start3A_28 = arith.constant 128 : i32
    %dma_start3A_29 = tpu.memref_slice %arg9[%dma_start3A_28] : memref<512xf32, #tpu.memory_space<vmem>> -> memref<128xf32, #tpu.memory_space<vmem>>
    %dma_start3A_30 = arith.constant 0 : i32
    %dma_start3A_31 = tpu.memref_slice %arg8[%dma_start3A_27, %dma_start3A_30] : memref<4x128xi32, #tpu.memory_space<vmem>> -> memref<1x128xi32, #tpu.memory_space<vmem>>
    %dma_start3A_32 = tpu.memref_squeeze %dma_start3A_31 : memref<1x128xi32, #tpu.memory_space<vmem>> -> memref<128xi32, #tpu.memory_space<vmem>>
    %dma_start3A_33 = arith.constant 0 : i32
    %dma_start3A_34 = tpu.memref_slice %arg5[%dma_start3A_33] : memref<1000000xf32, #tpu.memory_space<hbm>> -> memref<1000000xf32, #tpu.memory_space<hbm>>
    tpu.enqueue_indirect_dma source(%dma_start3A_34 : memref<1000000xf32, #tpu.memory_space<hbm>>) target(%dma_start3A_29 : memref<128xf32, #tpu.memory_space<vmem>>) offsets(%dma_start3A_32 : memref<128xi32, #tpu.memory_space<vmem>>) semaphore(%arg18 : memref<!tpu.dma_semaphore, #tpu.memory_space<semaphore_mem>>)
    %dma_start3A_35 = arith.constant 2 : i32
    %dma_start3A_36 = arith.constant 256 : i32
    %dma_start3A_37 = tpu.memref_slice %arg9[%dma_start3A_36] : memref<512xf32, #tpu.memory_space<vmem>> -> memref<128xf32, #tpu.memory_space<vmem>>
    %dma_start3A_38 = arith.constant 0 : i32
    %dma_start3A_39 = tpu.memref_slice %arg8[%dma_start3A_35, %dma_start3A_38] : memref<4x128xi32, #tpu.memory_space<vmem>> -> memref<1x128xi32, #tpu.memory_space<vmem>>
    %dma_start3A_40 = tpu.memref_squeeze %dma_start3A_39 : memref<1x128xi32, #tpu.memory_space<vmem>> -> memref<128xi32, #tpu.memory_space<vmem>>
    %dma_start3A_41 = arith.constant 0 : i32
    %dma_start3A_42 = tpu.memref_slice %arg5[%dma_start3A_41] : memref<1000000xf32, #tpu.memory_space<hbm>> -> memref<1000000xf32, #tpu.memory_space<hbm>>
    tpu.enqueue_indirect_dma source(%dma_start3A_42 : memref<1000000xf32, #tpu.memory_space<hbm>>) target(%dma_start3A_37 : memref<128xf32, #tpu.memory_space<vmem>>) offsets(%dma_start3A_40 : memref<128xi32, #tpu.memory_space<vmem>>) semaphore(%arg18 : memref<!tpu.dma_semaphore, #tpu.memory_space<semaphore_mem>>)
    %dma_start3A_43 = arith.constant 3 : i32
    %dma_start3A_44 = arith.constant 384 : i32
    %dma_start3A_45 = tpu.memref_slice %arg9[%dma_start3A_44] : memref<512xf32, #tpu.memory_space<vmem>> -> memref<128xf32, #tpu.memory_space<vmem>>
    %dma_start3A_46 = arith.constant 0 : i32
    %dma_start3A_47 = tpu.memref_slice %arg8[%dma_start3A_43, %dma_start3A_46] : memref<4x128xi32, #tpu.memory_space<vmem>> -> memref<1x128xi32, #tpu.memory_space<vmem>>
    %dma_start3A_48 = tpu.memref_squeeze %dma_start3A_47 : memref<1x128xi32, #tpu.memory_space<vmem>> -> memref<128xi32, #tpu.memory_space<vmem>>
    %dma_start3A_49 = arith.constant 0 : i32
    %dma_start3A_50 = tpu.memref_slice %arg5[%dma_start3A_49] : memref<1000000xf32, #tpu.memory_space<hbm>> -> memref<1000000xf32, #tpu.memory_space<hbm>>
    tpu.enqueue_indirect_dma source(%dma_start3A_50 : memref<1000000xf32, #tpu.memory_space<hbm>>) target(%dma_start3A_45 : memref<128xf32, #tpu.memory_space<vmem>>) offsets(%dma_start3A_48 : memref<128xi32, #tpu.memory_space<vmem>>) semaphore(%arg18 : memref<!tpu.dma_semaphore, #tpu.memory_space<semaphore_mem>>)
    "tpu.region"() ({
      %run_scoped3A_177 = tpu.sem_alloc : memref<!tpu.dma_semaphore, #tpu.memory_space<semaphore_mem>>
      %dma_start3A_178 = tpu.memref_slice %arg2[%mul3A_2] : memref<16384xf32, #tpu.memory_space<hbm>> -> memref<512xf32, #tpu.memory_space<hbm>>
      %dma_start3A_179 = tpu.memref_slice %arg2[%mul3A_2] : memref<16384xf32, #tpu.memory_space<hbm>> -> memref<512xf32, #tpu.memory_space<hbm>>
      tpu.enqueue_dma source(%dma_start3A_179 : memref<512xf32, #tpu.memory_space<hbm>>) target(%arg10 : memref<512xf32, #tpu.memory_space<vmem>>) target_semaphore(%run_scoped3A_177 : memref<!tpu.dma_semaphore, #tpu.memory_space<semaphore_mem>>)
      %dma_wait3A_180 = tpu.memref_slice %arg2[%mul3A_2] : memref<16384xf32, #tpu.memory_space<hbm>> -> memref<512xf32, #tpu.memory_space<hbm>>
      %dma_wait3A_181 = tpu.memref_slice %arg2[%mul3A_2] : memref<16384xf32, #tpu.memory_space<hbm>> -> memref<512xf32, #tpu.memory_space<hbm>>
      tpu.wait_dma2 semaphore(%run_scoped3A_177 : memref<!tpu.dma_semaphore, #tpu.memory_space<semaphore_mem>>) src(%dma_wait3A_181 : memref<512xf32, #tpu.memory_space<hbm>>) dst(%arg10 : memref<512xf32, #tpu.memory_space<vmem>>)
      tpu.yield
    }) : () -> ()
    "tpu.region"() ({
      %run_scoped3A_177 = tpu.sem_alloc : memref<!tpu.dma_semaphore, #tpu.memory_space<semaphore_mem>>
      %dma_start3A_178 = tpu.memref_slice %arg3[%mul3A_2] : memref<16384xf32, #tpu.memory_space<hbm>> -> memref<512xf32, #tpu.memory_space<hbm>>
      %dma_start3A_179 = tpu.memref_slice %arg3[%mul3A_2] : memref<16384xf32, #tpu.memory_space<hbm>> -> memref<512xf32, #tpu.memory_space<hbm>>
      tpu.enqueue_dma source(%dma_start3A_179 : memref<512xf32, #tpu.memory_space<hbm>>) target(%arg11 : memref<512xf32, #tpu.memory_space<vmem>>) target_semaphore(%run_scoped3A_177 : memref<!tpu.dma_semaphore, #tpu.memory_space<semaphore_mem>>)
      %dma_wait3A_180 = tpu.memref_slice %arg3[%mul3A_2] : memref<16384xf32, #tpu.memory_space<hbm>> -> memref<512xf32, #tpu.memory_space<hbm>>
      %dma_wait3A_181 = tpu.memref_slice %arg3[%mul3A_2] : memref<16384xf32, #tpu.memory_space<hbm>> -> memref<512xf32, #tpu.memory_space<hbm>>
      tpu.wait_dma2 semaphore(%run_scoped3A_177 : memref<!tpu.dma_semaphore, #tpu.memory_space<semaphore_mem>>) src(%dma_wait3A_181 : memref<512xf32, #tpu.memory_space<hbm>>) dst(%arg11 : memref<512xf32, #tpu.memory_space<vmem>>)
      tpu.yield
    }) : () -> ()
    %jit3A = arith.constant 4 : i32
    %eq3A = arith.constant 0 : i32
    %eq3A_51 = arith.cmpi eq, %jit3A, %eq3A : i32
    %jit3A_52 = arith.constant 1 : i32
    %select_n3A = arith.select %eq3A_51, %jit3A_52, %jit3A : i32
    %rem3A = arith.remsi %add3A, %select_n3A : i32
    %ne3A = arith.constant 0 : i32
    %ne3A_53 = arith.cmpi ne, %rem3A, %ne3A : i32
    %lt3A = arith.constant 0 : i32
    %lt3A_54 = arith.cmpi slt, %rem3A, %lt3A : i32
    %lt3A_55 = arith.constant 0 : i32
    %lt3A_56 = arith.cmpi slt, %select_n3A, %lt3A_55 : i32
    %ne3A_57 = arith.xori %lt3A_54, %lt3A_56 : i1
    %and3A = arith.andi %ne3A_57, %ne3A_53 : i1
    %add3A_58 = arith.addi %rem3A, %select_n3A : i32
    %select_n3A_59 = arith.select %and3A, %add3A_58, %rem3A : i32
    %mul3A_60 = arith.constant 16 : i32
    %mul3A_61 = arith.muli %select_n3A_59, %mul3A_60 : i32
    %add3A_62 = arith.constant 999936 : i32
    %add3A_63 = arith.addi %add3A_62, %mul3A_61 : i32
    "tpu.region"() ({
      %run_scoped3A_177 = tpu.sem_alloc : memref<!tpu.dma_semaphore, #tpu.memory_space<semaphore_mem>>
      %dma_start3A_178 = tpu.memref_slice %arg5[%add3A_63] : memref<1000000xf32, #tpu.memory_space<hbm>> -> memref<16xf32, #tpu.memory_space<hbm>>
      %dma_start3A_179 = tpu.memref_slice %arg5[%add3A_63] : memref<1000000xf32, #tpu.memory_space<hbm>> -> memref<16xf32, #tpu.memory_space<hbm>>
      tpu.enqueue_dma source(%dma_start3A_179 : memref<16xf32, #tpu.memory_space<hbm>>) target(%arg14 : memref<16xf32, #tpu.memory_space<vmem>>) target_semaphore(%run_scoped3A_177 : memref<!tpu.dma_semaphore, #tpu.memory_space<semaphore_mem>>)
      %dma_wait3A_180 = tpu.memref_slice %arg5[%add3A_63] : memref<1000000xf32, #tpu.memory_space<hbm>> -> memref<16xf32, #tpu.memory_space<hbm>>
      %dma_wait3A_181 = tpu.memref_slice %arg5[%add3A_63] : memref<1000000xf32, #tpu.memory_space<hbm>> -> memref<16xf32, #tpu.memory_space<hbm>>
      tpu.wait_dma2 semaphore(%run_scoped3A_177 : memref<!tpu.dma_semaphore, #tpu.memory_space<semaphore_mem>>) src(%dma_wait3A_181 : memref<16xf32, #tpu.memory_space<hbm>>) dst(%arg14 : memref<16xf32, #tpu.memory_space<vmem>>)
      tpu.yield
    }) : () -> ()
    %dma_wait3A = tpu.memref_slice %arg5[%add3A_6] : memref<1000000xf32, #tpu.memory_space<hbm>> -> memref<10768xf32, #tpu.memory_space<hbm>>
    %dma_wait3A_64 = tpu.memref_slice %arg5[%add3A_6] : memref<1000000xf32, #tpu.memory_space<hbm>> -> memref<10768xf32, #tpu.memory_space<hbm>>
    tpu.wait_dma2 semaphore(%arg19 : memref<!tpu.dma_semaphore, #tpu.memory_space<semaphore_mem>>) src(%dma_wait3A_64 : memref<10768xf32, #tpu.memory_space<hbm>>) dst(%arg13 : memref<10768xf32, #tpu.memory_space<vmem>>)
    %broadcast_in_dim3A = arith.constant 0.000000e+00 : f32
    %broadcast_in_dim3A_65 = vector.broadcast %broadcast_in_dim3A : f32 to vector<16xf32>
    %scan3A = arith.constant 0 : i32
    %scan3A_66 = arith.constant 84 : i32
    %scan3A_67 = arith.addi %scan3A, %scan3A_66 : i32
    %scan3A_68 = arith.constant 1 : i32
    %scan3A_69:8 = scf.for %scan3A_177 = %scan3A to %scan3A_67 step %scan3A_68 iter_args(%scan3A_178 = %broadcast_in_dim3A_65, %scan3A_179 = %broadcast_in_dim3A_65, %scan3A_180 = %broadcast_in_dim3A_65, %scan3A_181 = %broadcast_in_dim3A_65, %scan3A_182 = %broadcast_in_dim3A_65, %scan3A_183 = %broadcast_in_dim3A_65, %scan3A_184 = %broadcast_in_dim3A_65, %scan3A_185 = %broadcast_in_dim3A_65) -> (vector<16xf32>, vector<16xf32>, vector<16xf32>, vector<16xf32>, vector<16xf32>, vector<16xf32>, vector<16xf32>, vector<16xf32>)  : i32 {
      %mul3A_186 = arith.constant 128 : i32
      %mul3A_187 = arith.muli %scan3A_177, %mul3A_186 : i32
      %add3A_188 = arith.constant 0 : i32
      %add3A_189 = arith.addi %mul3A_187, %add3A_188 : i32
      %get3A_190 = arith.index_cast %add3A_189 : i32 to index
      %get3A_191 = tpu.vector_load %arg13[%get3A_190] {strides = array<i32>} : memref<10768xf32, #tpu.memory_space<vmem>>, vector<16xf32>,
      %get3A_192 = vector.shape_cast %get3A_191 : vector<16xf32> to vector<16xf32>
      %neg3A_193 = arith.constant 0.000000e+00 : f32
      %neg3A_194 = vector.broadcast %neg3A_193 : f32 to vector<16xf32>
      %neg3A_195 = arith.subf %neg3A_194, %get3A_192 : vector<16xf32>
      %min3A_196 = arith.minimumf %get3A_192, %neg3A_195 : vector<16xf32>
      %exp3A_197 = math.exp %min3A_196 : vector<16xf32>
      %add3A_198 = arith.constant 1.000000e+00 : f32
      %add3A_199 = vector.broadcast %add3A_198 : f32 to vector<16xf32>
      %add3A_200 = arith.addf %add3A_199, %exp3A_197 : vector<16xf32>
      %div3A_201 = arith.constant 1.000000e+00 : f32
      %div3A_202 = vector.broadcast %div3A_201 : f32 to vector<16xf32>
      %div3A_203 = arith.divf %div3A_202, %add3A_200 : vector<16xf32>
      %add3A_204 = arith.addf %scan3A_178, %div3A_203 : vector<16xf32>
      %add3A_205 = arith.constant 16 : i32
      %add3A_206 = arith.addi %mul3A_187, %add3A_205 : i32
      %get3A_207 = arith.index_cast %add3A_206 : i32 to index
      %get3A_208 = tpu.vector_load %arg13[%get3A_207] {strides = array<i32>} : memref<10768xf32, #tpu.memory_space<vmem>>, vector<16xf32>,
      %get3A_209 = vector.shape_cast %get3A_208 : vector<16xf32> to vector<16xf32>
      %neg3A_210 = arith.constant 0.000000e+00 : f32
      %neg3A_211 = vector.broadcast %neg3A_210 : f32 to vector<16xf32>
      %neg3A_212 = arith.subf %neg3A_211, %get3A_209 : vector<16xf32>
      %min3A_213 = arith.minimumf %get3A_209, %neg3A_212 : vector<16xf32>
      %exp3A_214 = math.exp %min3A_213 : vector<16xf32>
      %add3A_215 = arith.constant 1.000000e+00 : f32
      %add3A_216 = vector.broadcast %add3A_215 : f32 to vector<16xf32>
      %add3A_217 = arith.addf %add3A_216, %exp3A_214 : vector<16xf32>
      %div3A_218 = arith.constant 1.000000e+00 : f32
      %div3A_219 = vector.broadcast %div3A_218 : f32 to vector<16xf32>
      %div3A_220 = arith.divf %div3A_219, %add3A_217 : vector<16xf32>
      %add3A_221 = arith.addf %scan3A_179, %div3A_220 : vector<16xf32>
      %add3A_222 = arith.constant 32 : i32
      %add3A_223 = arith.addi %mul3A_187, %add3A_222 : i32
      %get3A_224 = arith.index_cast %add3A_223 : i32 to index
      %get3A_225 = tpu.vector_load %arg13[%get3A_224] {strides = array<i32>} : memref<10768xf32, #tpu.memory_space<vmem>>, vector<16xf32>,
      %get3A_226 = vector.shape_cast %get3A_225 : vector<16xf32> to vector<16xf32>
      %neg3A_227 = arith.constant 0.000000e+00 : f32
      %neg3A_228 = vector.broadcast %neg3A_227 : f32 to vector<16xf32>
      %neg3A_229 = arith.subf %neg3A_228, %get3A_226 : vector<16xf32>
      %min3A_230 = arith.minimumf %get3A_226, %neg3A_229 : vector<16xf32>
      %exp3A_231 = math.exp %min3A_230 : vector<16xf32>
      %add3A_232 = arith.constant 1.000000e+00 : f32
      %add3A_233 = vector.broadcast %add3A_232 : f32 to vector<16xf32>
      %add3A_234 = arith.addf %add3A_233, %exp3A_231 : vector<16xf32>
      %div3A_235 = arith.constant 1.000000e+00 : f32
      %div3A_236 = vector.broadcast %div3A_235 : f32 to vector<16xf32>
      %div3A_237 = arith.divf %div3A_236, %add3A_234 : vector<16xf32>
      %add3A_238 = arith.addf %scan3A_180, %div3A_237 : vector<16xf32>
      %add3A_239 = arith.constant 48 : i32
      %add3A_240 = arith.addi %mul3A_187, %add3A_239 : i32
      %get3A_241 = arith.index_cast %add3A_240 : i32 to index
      %get3A_242 = tpu.vector_load %arg13[%get3A_241] {strides = array<i32>} : memref<10768xf32, #tpu.memory_space<vmem>>, vector<16xf32>,
      %get3A_243 = vector.shape_cast %get3A_242 : vector<16xf32> to vector<16xf32>
      %neg3A_244 = arith.constant 0.000000e+00 : f32
      %neg3A_245 = vector.broadcast %neg3A_244 : f32 to vector<16xf32>
      %neg3A_246 = arith.subf %neg3A_245, %get3A_243 : vector<16xf32>
      %min3A_247 = arith.minimumf %get3A_243, %neg3A_246 : vector<16xf32>
      %exp3A_248 = math.exp %min3A_247 : vector<16xf32>
      %add3A_249 = arith.constant 1.000000e+00 : f32
      %add3A_250 = vector.broadcast %add3A_249 : f32 to vector<16xf32>
      %add3A_251 = arith.addf %add3A_250, %exp3A_248 : vector<16xf32>
      %div3A_252 = arith.constant 1.000000e+00 : f32
      %div3A_253 = vector.broadcast %div3A_252 : f32 to vector<16xf32>
      %div3A_254 = arith.divf %div3A_253, %add3A_251 : vector<16xf32>
      %add3A_255 = arith.addf %scan3A_181, %div3A_254 : vector<16xf32>
      %add3A_256 = arith.constant 64 : i32
      %add3A_257 = arith.addi %mul3A_187, %add3A_256 : i32
      %get3A_258 = arith.index_cast %add3A_257 : i32 to index
      %get3A_259 = tpu.vector_load %arg13[%get3A_258] {strides = array<i32>} : memref<10768xf32, #tpu.memory_space<vmem>>, vector<16xf32>,
      %get3A_260 = vector.shape_cast %get3A_259 : vector<16xf32> to vector<16xf32>
      %neg3A_261 = arith.constant 0.000000e+00 : f32
      %neg3A_262 = vector.broadcast %neg3A_261 : f32 to vector<16xf32>
      %neg3A_263 = arith.subf %neg3A_262, %get3A_260 : vector<16xf32>
      %min3A_264 = arith.minimumf %get3A_260, %neg3A_263 : vector<16xf32>
      %exp3A_265 = math.exp %min3A_264 : vector<16xf32>
      %add3A_266 = arith.constant 1.000000e+00 : f32
      %add3A_267 = vector.broadcast %add3A_266 : f32 to vector<16xf32>
      %add3A_268 = arith.addf %add3A_267, %exp3A_265 : vector<16xf32>
      %div3A_269 = arith.constant 1.000000e+00 : f32
      %div3A_270 = vector.broadcast %div3A_269 : f32 to vector<16xf32>
      %div3A_271 = arith.divf %div3A_270, %add3A_268 : vector<16xf32>
      %add3A_272 = arith.addf %scan3A_182, %div3A_271 : vector<16xf32>
      %add3A_273 = arith.constant 80 : i32
      %add3A_274 = arith.addi %mul3A_187, %add3A_273 : i32
      %get3A_275 = arith.index_cast %add3A_274 : i32 to index
      %get3A_276 = tpu.vector_load %arg13[%get3A_275] {strides = array<i32>} : memref<10768xf32, #tpu.memory_space<vmem>>, vector<16xf32>,
      %get3A_277 = vector.shape_cast %get3A_276 : vector<16xf32> to vector<16xf32>
      %neg3A_278 = arith.constant 0.000000e+00 : f32
      %neg3A_279 = vector.broadcast %neg3A_278 : f32 to vector<16xf32>
      %neg3A_280 = arith.subf %neg3A_279, %get3A_277 : vector<16xf32>
      %min3A_281 = arith.minimumf %get3A_277, %neg3A_280 : vector<16xf32>
      %exp3A_282 = math.exp %min3A_281 : vector<16xf32>
      %add3A_283 = arith.constant 1.000000e+00 : f32
      %add3A_284 = vector.broadcast %add3A_283 : f32 to vector<16xf32>
      %add3A_285 = arith.addf %add3A_284, %exp3A_282 : vector<16xf32>
      %div3A_286 = arith.constant 1.000000e+00 : f32
      %div3A_287 = vector.broadcast %div3A_286 : f32 to vector<16xf32>
      %div3A_288 = arith.divf %div3A_287, %add3A_285 : vector<16xf32>
      %add3A_289 = arith.addf %scan3A_183, %div3A_288 : vector<16xf32>
      %add3A_290 = arith.constant 96 : i32
      %add3A_291 = arith.addi %mul3A_187, %add3A_290 : i32
      %get3A_292 = arith.index_cast %add3A_291 : i32 to index
      %get3A_293 = tpu.vector_load %arg13[%get3A_292] {strides = array<i32>} : memref<10768xf32, #tpu.memory_space<vmem>>, vector<16xf32>,
      %get3A_294 = vector.shape_cast %get3A_293 : vector<16xf32> to vector<16xf32>
      %neg3A_295 = arith.constant 0.000000e+00 : f32
      %neg3A_296 = vector.broadcast %neg3A_295 : f32 to vector<16xf32>
      %neg3A_297 = arith.subf %neg3A_296, %get3A_294 : vector<16xf32>
      %min3A_298 = arith.minimumf %get3A_294, %neg3A_297 : vector<16xf32>
      %exp3A_299 = math.exp %min3A_298 : vector<16xf32>
      %add3A_300 = arith.constant 1.000000e+00 : f32
      %add3A_301 = vector.broadcast %add3A_300 : f32 to vector<16xf32>
      %add3A_302 = arith.addf %add3A_301, %exp3A_299 : vector<16xf32>
      %div3A_303 = arith.constant 1.000000e+00 : f32
      %div3A_304 = vector.broadcast %div3A_303 : f32 to vector<16xf32>
      %div3A_305 = arith.divf %div3A_304, %add3A_302 : vector<16xf32>
      %add3A_306 = arith.addf %scan3A_184, %div3A_305 : vector<16xf32>
      %add3A_307 = arith.constant 112 : i32
      %add3A_308 = arith.addi %mul3A_187, %add3A_307 : i32
      %get3A_309 = arith.index_cast %add3A_308 : i32 to index
      %get3A_310 = tpu.vector_load %arg13[%get3A_309] {strides = array<i32>} : memref<10768xf32, #tpu.memory_space<vmem>>, vector<16xf32>,
      %get3A_311 = vector.shape_cast %get3A_310 : vector<16xf32> to vector<16xf32>
      %neg3A_312 = arith.constant 0.000000e+00 : f32
      %neg3A_313 = vector.broadcast %neg3A_312 : f32 to vector<16xf32>
      %neg3A_314 = arith.subf %neg3A_313, %get3A_311 : vector<16xf32>
      %min3A_315 = arith.minimumf %get3A_311, %neg3A_314 : vector<16xf32>
      %exp3A_316 = math.exp %min3A_315 : vector<16xf32>
      %add3A_317 = arith.constant 1.000000e+00 : f32
      %add3A_318 = vector.broadcast %add3A_317 : f32 to vector<16xf32>
      %add3A_319 = arith.addf %add3A_318, %exp3A_316 : vector<16xf32>
      %div3A_320 = arith.constant 1.000000e+00 : f32
      %div3A_321 = vector.broadcast %div3A_320 : f32 to vector<16xf32>
      %div3A_322 = arith.divf %div3A_321, %add3A_319 : vector<16xf32>
      %add3A_323 = arith.addf %scan3A_185, %div3A_322 : vector<16xf32>
      scf.yield %add3A_204, %add3A_221, %add3A_238, %add3A_255, %add3A_272, %add3A_289, %add3A_306, %add3A_323 : vector<16xf32>, vector<16xf32>, vector<16xf32>, vector<16xf32>, vector<16xf32>, vector<16xf32>, vector<16xf32>, vector<16xf32>
    }
    %scan3A_70 = arith.constant 84 : i32
    %add3A_71 = arith.addf %scan3A_69#0, %scan3A_69#1 : vector<16xf32>
    %add3A_72 = arith.addf %add3A_71, %scan3A_69#2 : vector<16xf32>
    %add3A_73 = arith.addf %add3A_72, %scan3A_69#3 : vector<16xf32>
    %add3A_74 = arith.addf %add3A_73, %scan3A_69#4 : vector<16xf32>
    %add3A_75 = arith.addf %add3A_74, %scan3A_69#5 : vector<16xf32>
    %add3A_76 = arith.addf %add3A_75, %scan3A_69#6 : vector<16xf32>
    %add3A_77 = arith.addf %add3A_76, %scan3A_69#7 : vector<16xf32>
    %get3A = arith.constant 10752 : index
    %get3A_78 = tpu.vector_load %arg13[%get3A] {strides = array<i32>} : memref<10768xf32, #tpu.memory_space<vmem>>, vector<16xf32>,
    %get3A_79 = vector.shape_cast %get3A_78 : vector<16xf32> to vector<16xf32>
    %neg3A = arith.constant 0.000000e+00 : f32
    %neg3A_80 = vector.broadcast %neg3A : f32 to vector<16xf32>
    %neg3A_81 = arith.subf %neg3A_80, %get3A_79 : vector<16xf32>
    %min3A = arith.minimumf %get3A_79, %neg3A_81 : vector<16xf32>
    %exp3A = math.exp %min3A : vector<16xf32>
    %add3A_82 = arith.constant 1.000000e+00 : f32
    %add3A_83 = vector.broadcast %add3A_82 : f32 to vector<16xf32>
    %add3A_84 = arith.addf %add3A_83, %exp3A : vector<16xf32>
    %div3A = arith.constant 1.000000e+00 : f32
    %div3A_85 = vector.broadcast %div3A : f32 to vector<16xf32>
    %div3A_86 = arith.divf %div3A_85, %add3A_84 : vector<16xf32>
    %add3A_87 = arith.addf %add3A_77, %div3A_86 : vector<16xf32>
    %lt3A_88 = arith.constant 4 : i32
    %lt3A_89 = arith.cmpi slt, %add3A, %lt3A_88 : i32
    %convert_element_type3A = arith.extui %lt3A_89 : i1 to i32
    %convert_element_type3A_90 = arith.sitofp %convert_element_type3A : i32 to f32
    %add3A_91 = arith.constant 5.000000e-01 : f32
    %add3A_92 = vector.broadcast %add3A_91 : f32 to vector<16xf32>
    %add3A_93 = arith.addf %add3A_87, %add3A_92 : vector<16xf32>
    %get3A_94 = arith.constant 0 : index
    %get3A_95 = tpu.vector_load %arg14[%get3A_94] {strides = array<i32>} : memref<16xf32, #tpu.memory_space<vmem>>, vector<16xf32>,
    %get3A_96 = vector.shape_cast %get3A_95 : vector<16xf32> to vector<16xf32>
    %neg3A_97 = arith.constant 0.000000e+00 : f32
    %neg3A_98 = vector.broadcast %neg3A_97 : f32 to vector<16xf32>
    %neg3A_99 = arith.subf %neg3A_98, %get3A_96 : vector<16xf32>
    %min3A_100 = arith.minimumf %get3A_96, %neg3A_99 : vector<16xf32>
    %exp3A_101 = math.exp %min3A_100 : vector<16xf32>
    %add3A_102 = arith.constant 1.000000e+00 : f32
    %add3A_103 = vector.broadcast %add3A_102 : f32 to vector<16xf32>
    %add3A_104 = arith.addf %add3A_103, %exp3A_101 : vector<16xf32>
    %div3A_105 = arith.constant 1.000000e+00 : f32
    %div3A_106 = vector.broadcast %div3A_105 : f32 to vector<16xf32>
    %div3A_107 = arith.divf %div3A_106, %add3A_104 : vector<16xf32>
    %sub3A = arith.constant 5.000000e-01 : f32
    %sub3A_108 = vector.broadcast %sub3A : f32 to vector<16xf32>
    %sub3A_109 = arith.subf %div3A_107, %sub3A_108 : vector<16xf32>
    %mul3A_110 = vector.broadcast %convert_element_type3A_90 : f32 to vector<16xf32>
    %mul3A_111 = arith.mulf %sub3A_109, %mul3A_110 : vector<16xf32>
    %add3A_112 = arith.addf %add3A_93, %mul3A_111 : vector<16xf32>
    %mul3A_113 = arith.constant 2.000000e+00 : f32
    %mul3A_114 = vector.broadcast %mul3A_113 : f32 to vector<16xf32>
    %mul3A_115 = arith.mulf %mul3A_114, %add3A_112 : vector<16xf32>
    %sub3A_116 = arith.constant 6.740000e+02 : f32
    %sub3A_117 = vector.broadcast %sub3A_116 : f32 to vector<16xf32>
    %sub3A_118 = arith.subf %mul3A_115, %sub3A_117 : vector<16xf32>
    %dma_wait3A_119 = arith.constant 0 : i32
    %dma_wait3A_120 = arith.constant 0 : i32
    %dma_wait3A_121 = tpu.memref_slice %arg9[%dma_wait3A_120] : memref<512xf32, #tpu.memory_space<vmem>> -> memref<128xf32, #tpu.memory_space<vmem>>
    %dma_wait3A_122 = arith.constant 0 : i32
    %dma_wait3A_123 = tpu.memref_slice %arg8[%dma_wait3A_119, %dma_wait3A_122] : memref<4x128xi32, #tpu.memory_space<vmem>> -> memref<1x128xi32, #tpu.memory_space<vmem>>
    %dma_wait3A_124 = tpu.memref_squeeze %dma_wait3A_123 : memref<1x128xi32, #tpu.memory_space<vmem>> -> memref<128xi32, #tpu.memory_space<vmem>>
    %dma_wait3A_125 = arith.constant 0 : i32
    %dma_wait3A_126 = tpu.memref_slice %arg5[%dma_wait3A_125] : memref<1000000xf32, #tpu.memory_space<hbm>> -> memref<1000000xf32, #tpu.memory_space<hbm>>
    tpu.wait_indirect_dma semaphore(%arg18 : memref<!tpu.dma_semaphore, #tpu.memory_space<semaphore_mem>>) src(%dma_wait3A_126 : memref<1000000xf32, #tpu.memory_space<hbm>>) dst(%dma_wait3A_121 : memref<128xf32, #tpu.memory_space<vmem>>)
    %dma_wait3A_127 = arith.constant 1 : i32
    %dma_wait3A_128 = arith.constant 128 : i32
    %dma_wait3A_129 = tpu.memref_slice %arg9[%dma_wait3A_128] : memref<512xf32, #tpu.memory_space<vmem>> -> memref<128xf32, #tpu.memory_space<vmem>>
    %dma_wait3A_130 = arith.constant 0 : i32
    %dma_wait3A_131 = tpu.memref_slice %arg8[%dma_wait3A_127, %dma_wait3A_130] : memref<4x128xi32, #tpu.memory_space<vmem>> -> memref<1x128xi32, #tpu.memory_space<vmem>>
    %dma_wait3A_132 = tpu.memref_squeeze %dma_wait3A_131 : memref<1x128xi32, #tpu.memory_space<vmem>> -> memref<128xi32, #tpu.memory_space<vmem>>
    %dma_wait3A_133 = arith.constant 0 : i32
    %dma_wait3A_134 = tpu.memref_slice %arg5[%dma_wait3A_133] : memref<1000000xf32, #tpu.memory_space<hbm>> -> memref<1000000xf32, #tpu.memory_space<hbm>>
    tpu.wait_indirect_dma semaphore(%arg18 : memref<!tpu.dma_semaphore, #tpu.memory_space<semaphore_mem>>) src(%dma_wait3A_134 : memref<1000000xf32, #tpu.memory_space<hbm>>) dst(%dma_wait3A_129 : memref<128xf32, #tpu.memory_space<vmem>>)
    %dma_wait3A_135 = arith.constant 2 : i32
    %dma_wait3A_136 = arith.constant 256 : i32
    %dma_wait3A_137 = tpu.memref_slice %arg9[%dma_wait3A_136] : memref<512xf32, #tpu.memory_space<vmem>> -> memref<128xf32, #tpu.memory_space<vmem>>
    %dma_wait3A_138 = arith.constant 0 : i32
    %dma_wait3A_139 = tpu.memref_slice %arg8[%dma_wait3A_135, %dma_wait3A_138] : memref<4x128xi32, #tpu.memory_space<vmem>> -> memref<1x128xi32, #tpu.memory_space<vmem>>
    %dma_wait3A_140 = tpu.memref_squeeze %dma_wait3A_139 : memref<1x128xi32, #tpu.memory_space<vmem>> -> memref<128xi32, #tpu.memory_space<vmem>>
    %dma_wait3A_141 = arith.constant 0 : i32
    %dma_wait3A_142 = tpu.memref_slice %arg5[%dma_wait3A_141] : memref<1000000xf32, #tpu.memory_space<hbm>> -> memref<1000000xf32, #tpu.memory_space<hbm>>
    tpu.wait_indirect_dma semaphore(%arg18 : memref<!tpu.dma_semaphore, #tpu.memory_space<semaphore_mem>>) src(%dma_wait3A_142 : memref<1000000xf32, #tpu.memory_space<hbm>>) dst(%dma_wait3A_137 : memref<128xf32, #tpu.memory_space<vmem>>)
    %dma_wait3A_143 = arith.constant 3 : i32
    %dma_wait3A_144 = arith.constant 384 : i32
    %dma_wait3A_145 = tpu.memref_slice %arg9[%dma_wait3A_144] : memref<512xf32, #tpu.memory_space<vmem>> -> memref<128xf32, #tpu.memory_space<vmem>>
    %dma_wait3A_146 = arith.constant 0 : i32
    %dma_wait3A_147 = tpu.memref_slice %arg8[%dma_wait3A_143, %dma_wait3A_146] : memref<4x128xi32, #tpu.memory_space<vmem>> -> memref<1x128xi32, #tpu.memory_space<vmem>>
    %dma_wait3A_148 = tpu.memref_squeeze %dma_wait3A_147 : memref<1x128xi32, #tpu.memory_space<vmem>> -> memref<128xi32, #tpu.memory_space<vmem>>
    %dma_wait3A_149 = arith.constant 0 : i32
    %dma_wait3A_150 = tpu.memref_slice %arg5[%dma_wait3A_149] : memref<1000000xf32, #tpu.memory_space<hbm>> -> memref<1000000xf32, #tpu.memory_space<hbm>>
    tpu.wait_indirect_dma semaphore(%arg18 : memref<!tpu.dma_semaphore, #tpu.memory_space<semaphore_mem>>) src(%dma_wait3A_150 : memref<1000000xf32, #tpu.memory_space<hbm>>) dst(%dma_wait3A_145 : memref<128xf32, #tpu.memory_space<vmem>>)
    %scan3A_151 = arith.constant 0 : i32
    %scan3A_152 = arith.constant 32 : i32
    %scan3A_153 = arith.addi %scan3A_151, %scan3A_152 : i32
    %scan3A_154 = arith.constant 1 : i32
    %scan3A_155:2 = scf.for %scan3A_177 = %scan3A_151 to %scan3A_153 step %scan3A_154 iter_args(%scan3A_178 = %broadcast_in_dim3A_65, %scan3A_179 = %broadcast_in_dim3A_65) -> (vector<16xf32>, vector<16xf32>)  : i32 {
      %mul3A_180 = arith.constant 16 : i32
      %mul3A_181 = arith.muli %scan3A_177, %mul3A_180 : i32
      %get3A_182 = arith.index_cast %mul3A_181 : i32 to index
      %get3A_183 = tpu.vector_load %arg9[%get3A_182] {strides = array<i32>} : memref<512xf32, #tpu.memory_space<vmem>>, vector<16xf32>,
      %get3A_184 = vector.shape_cast %get3A_183 : vector<16xf32> to vector<16xf32>
      %neg3A_185 = arith.constant 0.000000e+00 : f32
      %neg3A_186 = vector.broadcast %neg3A_185 : f32 to vector<16xf32>
      %neg3A_187 = arith.subf %neg3A_186, %get3A_184 : vector<16xf32>
      %exp3A_188 = math.exp %neg3A_187 : vector<16xf32>
      %add3A_189 = arith.constant 1.000000e+00 : f32
      %add3A_190 = vector.broadcast %add3A_189 : f32 to vector<16xf32>
      %add3A_191 = arith.addf %add3A_190, %exp3A_188 : vector<16xf32>
      %div3A_192 = arith.constant 2.000000e+00 : f32
      %div3A_193 = vector.broadcast %div3A_192 : f32 to vector<16xf32>
      %div3A_194 = arith.divf %div3A_193, %add3A_191 : vector<16xf32>
      %get3A_195 = arith.index_cast %mul3A_181 : i32 to index
      %get3A_196 = tpu.vector_load %arg10[%get3A_195] {strides = array<i32>} : memref<512xf32, #tpu.memory_space<vmem>>, vector<16xf32>,
      %get3A_197 = vector.shape_cast %get3A_196 : vector<16xf32> to vector<16xf32>
      %mul3A_198 = arith.mulf %get3A_197, %div3A_194 : vector<16xf32>
      %max3A = arith.constant 0.000000e+00 : f32
      %max3A_199 = vector.broadcast %max3A : f32 to vector<16xf32>
      %max3A_200 = arith.maximumf %mul3A_198, %max3A_199 : vector<16xf32>
      %min3A_201 = arith.constant 1.000000e+00 : f32
      %min3A_202 = vector.broadcast %min3A_201 : f32 to vector<16xf32>
      %min3A_203 = arith.minimumf %max3A_200, %min3A_202 : vector<16xf32>
      %swap3A_204 = arith.index_cast %mul3A_181 : i32 to index
      %swap3A_205 = tpu.vector_load %arg12[%swap3A_204] {strides = array<i32>} : memref<512xf32, #tpu.memory_space<vmem>>, vector<16xf32>,
      %swap3A_206 = vector.shape_cast %swap3A_205 : vector<16xf32> to vector<16xf32>
      %swap3A_207 = vector.shape_cast %min3A_203 : vector<16xf32> to vector<16xf32>
      tpu.vector_store %arg12[%swap3A_204], %swap3A_207 {strides = array<i32>} : memref<512xf32, #tpu.memory_space<vmem>>, vector<16xf32>,
      %get3A_208 = arith.index_cast %mul3A_181 : i32 to index
      %get3A_209 = tpu.vector_load %arg11[%get3A_208] {strides = array<i32>} : memref<512xf32, #tpu.memory_space<vmem>>, vector<16xf32>,
      %get3A_210 = vector.shape_cast %get3A_209 : vector<16xf32> to vector<16xf32>
      %sub3A_211 = arith.constant 1.000000e+00 : f32
      %sub3A_212 = vector.broadcast %sub3A_211 : f32 to vector<16xf32>
      %sub3A_213 = arith.subf %sub3A_212, %get3A_210 : vector<16xf32>
      %mul3A_214 = arith.mulf %min3A_203, %sub3A_213 : vector<16xf32>
      %add3A_215 = arith.addf %scan3A_178, %mul3A_214 : vector<16xf32>
      %sub3A_216 = arith.constant 1.000000e+00 : f32
      %sub3A_217 = vector.broadcast %sub3A_216 : f32 to vector<16xf32>
      %sub3A_218 = arith.subf %sub3A_217, %min3A_203 : vector<16xf32>
      %mul3A_219 = arith.mulf %sub3A_218, %get3A_210 : vector<16xf32>
      %add3A_220 = arith.addf %scan3A_179, %mul3A_219 : vector<16xf32>
      scf.yield %add3A_215, %add3A_220 : vector<16xf32>, vector<16xf32>
    }
    %scan3A_156 = arith.constant 32 : i32
    "tpu.region"() ({
      %run_scoped3A_177 = tpu.sem_alloc : memref<!tpu.dma_semaphore, #tpu.memory_space<semaphore_mem>>
      %dma_start3A_178 = tpu.memref_slice %arg6[%mul3A_2] : memref<16384xf32, #tpu.memory_space<hbm>> -> memref<512xf32, #tpu.memory_space<hbm>>
      %dma_start3A_179 = tpu.memref_slice %arg6[%mul3A_2] : memref<16384xf32, #tpu.memory_space<hbm>> -> memref<512xf32, #tpu.memory_space<hbm>>
      tpu.enqueue_dma source(%arg12 : memref<512xf32, #tpu.memory_space<vmem>>) target(%dma_start3A_179 : memref<512xf32, #tpu.memory_space<hbm>>) target_semaphore(%run_scoped3A_177 : memref<!tpu.dma_semaphore, #tpu.memory_space<semaphore_mem>>)
      %dma_wait3A_180 = tpu.memref_slice %arg6[%mul3A_2] : memref<16384xf32, #tpu.memory_space<hbm>> -> memref<512xf32, #tpu.memory_space<hbm>>
      %dma_wait3A_181 = tpu.memref_slice %arg6[%mul3A_2] : memref<16384xf32, #tpu.memory_space<hbm>> -> memref<512xf32, #tpu.memory_space<hbm>>
      tpu.wait_dma2 semaphore(%run_scoped3A_177 : memref<!tpu.dma_semaphore, #tpu.memory_space<semaphore_mem>>) src(%arg12 : memref<512xf32, #tpu.memory_space<vmem>>) dst(%dma_wait3A_181 : memref<512xf32, #tpu.memory_space<hbm>>)
      tpu.yield
    }) : () -> ()
    %mul3A_157 = arith.constant 6.10351563E-5 : f32
    %mul3A_158 = vector.broadcast %mul3A_157 : f32 to vector<16xf32>
    %mul3A_159 = arith.mulf %scan3A_155#0, %mul3A_158 : vector<16xf32>
    %mul3A_160 = arith.constant 3.05175781E-5 : f32
    %mul3A_161 = vector.broadcast %mul3A_160 : f32 to vector<16xf32>
    %mul3A_162 = arith.mulf %scan3A_155#1, %mul3A_161 : vector<16xf32>
    %add3A_163 = arith.addf %mul3A_159, %mul3A_162 : vector<16xf32>
    %mul3A_164 = arith.constant 1.000000e-07 : f32
    %mul3A_165 = vector.broadcast %mul3A_164 : f32 to vector<16xf32>
    %mul3A_166 = arith.mulf %sub3A_118, %mul3A_165 : vector<16xf32>
    %add3A_167 = arith.addf %add3A_163, %mul3A_166 : vector<16xf32>
    %swap3A = arith.constant 0 : index
    %swap3A_168 = tpu.vector_load %arg15[%swap3A] {strides = array<i32>} : memref<16xf32, #tpu.memory_space<vmem>>, vector<16xf32>,
    %swap3A_169 = vector.shape_cast %swap3A_168 : vector<16xf32> to vector<16xf32>
    %swap3A_170 = vector.shape_cast %add3A_167 : vector<16xf32> to vector<16xf32>
    tpu.vector_store %arg15[%swap3A], %swap3A_170 {strides = array<i32>} : memref<16xf32, #tpu.memory_space<vmem>>, vector<16xf32>,
    %mul3A_171 = arith.constant 16 : i32
    %mul3A_172 = arith.muli %arg1, %mul3A_171 : i32
    "tpu.region"() ({
      %run_scoped3A_177 = tpu.sem_alloc : memref<!tpu.dma_semaphore, #tpu.memory_space<semaphore_mem>>
      %dma_start3A_178 = tpu.memref_slice %arg17[%mul3A_172] : memref<256xf32, #tpu.memory_space<vmem_shared>> -> memref<16xf32, #tpu.memory_space<vmem_shared>>
      %dma_start3A_179 = tpu.memref_slice %arg17[%mul3A_172] : memref<256xf32, #tpu.memory_space<vmem_shared>> -> memref<16xf32, #tpu.memory_space<vmem_shared>>
      tpu.enqueue_dma source(%arg15 : memref<16xf32, #tpu.memory_space<vmem>>) target(%dma_start3A_179 : memref<16xf32, #tpu.memory_space<vmem_shared>>) target_semaphore(%run_scoped3A_177 : memref<!tpu.dma_semaphore, #tpu.memory_space<semaphore_mem>>)
      %dma_wait3A_180 = tpu.memref_slice %arg17[%mul3A_172] : memref<256xf32, #tpu.memory_space<vmem_shared>> -> memref<16xf32, #tpu.memory_space<vmem_shared>>
      %dma_wait3A_181 = tpu.memref_slice %arg17[%mul3A_172] : memref<256xf32, #tpu.memory_space<vmem_shared>> -> memref<16xf32, #tpu.memory_space<vmem_shared>>
      tpu.wait_dma2 semaphore(%run_scoped3A_177 : memref<!tpu.dma_semaphore, #tpu.memory_space<semaphore_mem>>) src(%arg15 : memref<16xf32, #tpu.memory_space<vmem>>) dst(%dma_wait3A_181 : memref<16xf32, #tpu.memory_space<vmem_shared>>)
      tpu.yield
    }) : () -> ()
    %barrier3A = arith.constant 0 : index
    tpu.barrier barrier_id(%barrier3A)
    %eq3A_173 = arith.constant 0 : i32
    %eq3A_174 = arith.cmpi eq, %arg1, %eq3A_173 : i32
    %convert_element_type3A_175 = arith.extui %eq3A_174 : i1 to i32
    %cond3A = arith.constant 0 : i32
    %cond3A_176 = arith.cmpi ne, %convert_element_type3A_175, %cond3A : i32
    scf.if %cond3A_176 {
      "tpu.region"() ({
        %run_scoped3A_189 = tpu.sem_alloc : memref<!tpu.dma_semaphore, #tpu.memory_space<semaphore_mem>>
        tpu.enqueue_dma source(%arg17 : memref<256xf32, #tpu.memory_space<vmem_shared>>) target(%arg16 : memref<256xf32, #tpu.memory_space<vmem>>) target_semaphore(%run_scoped3A_189 : memref<!tpu.dma_semaphore, #tpu.memory_space<semaphore_mem>>)
        tpu.wait_dma2 semaphore(%run_scoped3A_189 : memref<!tpu.dma_semaphore, #tpu.memory_space<semaphore_mem>>) src(%arg17 : memref<256xf32, #tpu.memory_space<vmem_shared>>) dst(%arg16 : memref<256xf32, #tpu.memory_space<vmem>>)
        tpu.yield
      }) : () -> ()
      %broadcast_in_dim3A_177 = arith.constant 0.000000e+00 : f32
      %broadcast_in_dim3A_178 = vector.broadcast %broadcast_in_dim3A_177 : f32 to vector<16xf32>
      %scan3A_179 = arith.constant 0 : i32
      %scan3A_180 = arith.constant 16 : i32
      %scan3A_181 = arith.addi %scan3A_179, %scan3A_180 : i32
      %scan3A_182 = arith.constant 1 : i32
      %scan3A_183 = scf.for %scan3A_189 = %scan3A_179 to %scan3A_181 step %scan3A_182 iter_args(%scan3A_190 = %broadcast_in_dim3A_178) -> (vector<16xf32>)  : i32 {
        %mul3A_191 = arith.constant 16 : i32
        %mul3A_192 = arith.muli %scan3A_189, %mul3A_191 : i32
        %get3A_193 = arith.index_cast %mul3A_192 : i32 to index
        %get3A_194 = tpu.vector_load %arg16[%get3A_193] {strides = array<i32>} : memref<256xf32, #tpu.memory_space<vmem>>, vector<16xf32>,
        %get3A_195 = vector.shape_cast %get3A_194 : vector<16xf32> to vector<16xf32>
        %add3A_196 = arith.addf %scan3A_190, %get3A_195 : vector<16xf32>
        scf.yield %add3A_196 : vector<16xf32>
      }
      %scan3A_184 = arith.constant 16 : i32
      %swap3A_185 = arith.constant 0 : index
      %swap3A_186 = tpu.vector_load %arg15[%swap3A_185] {strides = array<i32>} : memref<16xf32, #tpu.memory_space<vmem>>, vector<16xf32>,
      %swap3A_187 = vector.shape_cast %swap3A_186 : vector<16xf32> to vector<16xf32>
      %swap3A_188 = vector.shape_cast %scan3A_183 : vector<16xf32> to vector<16xf32>
      tpu.vector_store %arg15[%swap3A_185], %swap3A_188 {strides = array<i32>} : memref<16xf32, #tpu.memory_space<vmem>>, vector<16xf32>,
      "tpu.region"() ({
        %run_scoped3A_189 = tpu.sem_alloc : memref<!tpu.dma_semaphore, #tpu.memory_space<semaphore_mem>>
        %dma_start3A_190 = arith.constant 0 : i32
        %dma_start3A_191 = tpu.memref_slice %arg7[%arg0, %dma_start3A_190] : memref<2x16xf32, #tpu.memory_space<hbm>> -> memref<1x16xf32, #tpu.memory_space<hbm>>
        %dma_start3A_192 = tpu.memref_squeeze %dma_start3A_191 : memref<1x16xf32, #tpu.memory_space<hbm>> -> memref<16xf32, #tpu.memory_space<hbm>>
        %dma_start3A_193 = arith.constant 0 : i32
        %dma_start3A_194 = tpu.memref_slice %arg7[%arg0, %dma_start3A_193] : memref<2x16xf32, #tpu.memory_space<hbm>> -> memref<1x16xf32, #tpu.memory_space<hbm>>
        %dma_start3A_195 = tpu.memref_squeeze %dma_start3A_194 : memref<1x16xf32, #tpu.memory_space<hbm>> -> memref<16xf32, #tpu.memory_space<hbm>>
        tpu.enqueue_dma source(%arg15 : memref<16xf32, #tpu.memory_space<vmem>>) target(%dma_start3A_195 : memref<16xf32, #tpu.memory_space<hbm>>) target_semaphore(%run_scoped3A_189 : memref<!tpu.dma_semaphore, #tpu.memory_space<semaphore_mem>>)
        %dma_wait3A_196 = arith.constant 0 : i32
        %dma_wait3A_197 = tpu.memref_slice %arg7[%arg0, %dma_wait3A_196] : memref<2x16xf32, #tpu.memory_space<hbm>> -> memref<1x16xf32, #tpu.memory_space<hbm>>
        %dma_wait3A_198 = tpu.memref_squeeze %dma_wait3A_197 : memref<1x16xf32, #tpu.memory_space<hbm>> -> memref<16xf32, #tpu.memory_space<hbm>>
        %dma_wait3A_199 = arith.constant 0 : i32
        %dma_wait3A_200 = tpu.memref_slice %arg7[%arg0, %dma_wait3A_199] : memref<2x16xf32, #tpu.memory_space<hbm>> -> memref<1x16xf32, #tpu.memory_space<hbm>>
        %dma_wait3A_201 = tpu.memref_squeeze %dma_wait3A_200 : memref<1x16xf32, #tpu.memory_space<hbm>> -> memref<16xf32, #tpu.memory_space<hbm>>
        tpu.wait_dma2 semaphore(%run_scoped3A_189 : memref<!tpu.dma_semaphore, #tpu.memory_space<semaphore_mem>>) src(%arg15 : memref<16xf32, #tpu.memory_space<vmem>>) dst(%dma_wait3A_201 : memref<16xf32, #tpu.memory_space<hbm>>)
        tpu.yield
      }) : () -> ()
    } else {
    }
    return
  }
}

module attributes {stable_mosaic.version = 14 : i64} {
  func.func @_tc_calreg_body(%arg0: i32, %arg1: memref<131072xf32, #tpu.memory_space<vmem>>, %arg2: memref<1xf32, #tpu.memory_space<smem>>) attributes {dimension_semantics = [#tpu.dimension_semantics<arbitrary>], iteration_bounds = array<i64: 5>, scalar_prefetch = 0 : i64, scratch_operands = 0 : i64, tpu.core_type = #tpu.core_type<tc>, window_params = [{transform_indices = @transform_0, window_bounds = array<i64: 131072>}, {transform_indices = @transform_1, window_bounds = array<i64: 1>}]} {
    %eq3A = arith.constant 0 : i32
    %eq3A_0 = arith.cmpi eq, %arg0, %eq3A : i32
    %convert_element_type3A = arith.extui %eq3A_0 : i1 to i32
    %cond3A = arith.constant 0 : i32
    %cond3A_1 = arith.cmpi ne, %convert_element_type3A, %cond3A : i32
    scf.if %cond3A_1 {
      %swap3A_17 = arith.constant 0.000000e+00 : f32
      %swap3A_18 = arith.constant 0 : index
      %swap3A_19 = memref.load %arg2[%swap3A_18] : memref<1xf32, #tpu.memory_space<smem>>
      memref.store %swap3A_17, %arg2[%swap3A_18] : memref<1xf32, #tpu.memory_space<smem>>
    } else {
    }
    %get3A = arith.constant 0 : index
    %get3A_2 = vector.load %arg1[%get3A] : memref<131072xf32, #tpu.memory_space<vmem>>, vector<131072xf32>
    %abs3A = math.absf %get3A_2 : vector<131072xf32>
    %neg3A = arith.constant 0.000000e+00 : f32
    %neg3A_3 = vector.broadcast %neg3A : f32 to vector<131072xf32>
    %neg3A_4 = arith.subf %neg3A_3, %abs3A : vector<131072xf32>
    %exp3A = math.exp %neg3A_4 : vector<131072xf32>
    %get3A_5 = arith.constant 0 : index
    %get3A_6 = memref.load %arg2[%get3A_5] : memref<1xf32, #tpu.memory_space<smem>>
    %sub3A = arith.constant 1.000000e+00 : f32
    %sub3A_7 = vector.broadcast %sub3A : f32 to vector<131072xf32>
    %sub3A_8 = arith.subf %sub3A_7, %exp3A : vector<131072xf32>
    %add3A = arith.constant 1.000000e+00 : f32
    %add3A_9 = vector.broadcast %add3A : f32 to vector<131072xf32>
    %add3A_10 = arith.addf %add3A_9, %exp3A : vector<131072xf32>
    %div3A = arith.divf %sub3A_8, %add3A_10 : vector<131072xf32>
    %reduce_sum3A = vector.shape_cast %div3A : vector<131072xf32> to vector<1x131072xf32>
    %reduce_sum3A_11 = arith.constant dense<0.000000e+00> : vector<1xf32>
    %reduce_sum3A_12 = vector.multi_reduction <add>, %reduce_sum3A, %reduce_sum3A_11 [1] : vector<1x131072xf32> to vector<1xf32>
    %reduce_sum3A_13 = vector.shape_cast %reduce_sum3A_12 : vector<1xf32> to vector<1x1xf32>
    %reduce_sum3A_14 = vector.extract %reduce_sum3A_13[0, 0] : f32 from vector<1x1xf32>
    %add3A_15 = arith.addf %get3A_6, %reduce_sum3A_14 : f32
    %swap3A = arith.constant 0 : index
    %swap3A_16 = memref.load %arg2[%swap3A] : memref<1xf32, #tpu.memory_space<smem>>
    memref.store %add3A_15, %arg2[%swap3A] : memref<1xf32, #tpu.memory_space<smem>>
    return
  }
  func.func @transform_0(%arg0: i32) -> i32 {
    %c0_i32 = arith.constant 0 : i32
    return %arg0 : i32
  }
  func.func @transform_1(%arg0: i32) -> i32 {
    %c0_i32 = arith.constant 0 : i32
    %c0_i32_0 = arith.constant 0 : i32
    return %c0_i32 : i32
  }
}

</mosaic_0001>

<sc_bundles>
// kernel: kernel.4.cloned.1.call-start
scs
__scs_entry_jumppad:
0x0: {  	(pc) =	sbr.rel $0x88, $3  }
0x1: {  	(tag) =	ssettag $0x0;
	lr =	simm.s32 $0x1  }
0x2: {  	[smem:$0x3F9D] =	sst lr;
	_ =	strace $0xD0000000  }
0x3: {  	_ = 	snop  }
0x4: {  	_ = 	snop  }
0x5: {  	_ = 	snop  }
0x6: {  	_ = 	snop  }
0x7: {  	_ = 	snop  }
__scs_overlays_trampoline_lowered:
0x8: {  	[smem:$0x3FAC] =	sst s0  }
0x9: {  	[smem:$0x3FAD] =	sst s1  }
0xa: {  	[smem:$0x3FAE] =	sst s2  }
0xb: {  	[smem:$0x3FAF] =	sst s3  }
0xc: {  	[smem:$0x3FB0] =	sst s4  }
0xd: {  	[smem:$0x3FB1] =	sst s5  }
0xe: {  	[smem:$0x3FB2] =	sst s6  }
0xf: {  	[smem:$0x3FB3] =	sst s7  }
0x10: {  	[smem:$0x3FB4] =	sst s8  }
0x11: {  	[smem:$0x3FB5] =	sst s9;
	s0 =	simm.s32 @!p0 $0x0  }
0x12: {  	s1 =	sld [smem:$0x3F9B];
	s0 =	simm.s32 @p0 $0x1  }
0x13: {  	[smem:$0x3FB6] =	sst s0;
	s0 =	simm.s32 @!p1 $0x0  }
0x14: {  	s2 =	sld [smem:$0x3F9A];
	s0 =	simm.s32 @p1 $0x1  }
0x15: {  	[smem:$0x3FB7] =	sst s0;
	s0 =	simm.s32 @!p2 $0x0  }
0x16: {  	s3 =	sld [smem:$0x3FDB];
	s0 =	simm.s32 @p2 $0x1  }
0x17: {  	s4 =	simm.s32 $0x1BF5;
	[smem:$0x3FB9] =	sst s0  }
0x18: {  	s0 =	sld [smem:$0x3F9C];
	_ =	swait.ge [sflag:s4], $0x0  }
0x19: {  	s7 =	sld [smem:$0x3F9D]  }
0x1a: {  	s8 =	sadd.s32 $0xFFFFE003, lr  }
0x1b: {  	s9 =	sadd.s32 $0xFFFFFEF7, lr;
	s5 =	simm.s32 $0xFFFFFFFF;
	p2 =	slt.u32 s8, $0xFFFFF086  }
0x1c: {  	p1 =	slt.u32 s9, $0xF7A;
	s5 =	simm.s32 @!p2 $0x0  }
0x1d: {  	s5 =	simm.s32 @p1 $0x1;
	p0 =	seq.s32 s7, s2  }
0x1e: {  	s7 =	smul.u32 @!p0 $0xF7A, s2;
	p2 =	seq.s32 @!p0 s5, $0x0  }
0x1f: {  	s9 =	smul.u32 $0xF7A, s1;
	s8 =	simm.s32 @!p0 $0x1BF5;
	p2 =	por !p2, p0  }
0x20: {  	[sflag:s8] =	ssyncset.s32 @!p0 $0xFFFFF086;
	s6 =	sadd.s32 @!p0 s3, s7;
	s7 =	simm.s32 @!p0 $0x108  }
0x21: {  	s3 =	sadd.s32 s3, s9;
	s6 =	sadd.s32 @!p0 $0x88, s6;
	s7 =	simm.s32 @p2 $0x1082  }
0x22: {  	[simem:s7], [sflag:s8] =	dma.local @!p0 [hbm:s6], $0xF7A  }
0x23: {  	s9 =	sor.u32 $0xD0000000, s2;
	s6 =	simm.s32 $0x108;
	_ =	swait.ge @!p0 [sflag:s8], $0x0  }
0x24: {  	s3 =	sadd.s32 $0x88, s3;
	s6 =	simm.s32 @!p1 $0x1082;
	[sflag:s4] =	ssyncset.s32 $0xFFFFF086  }
0x25: {  	[simem:s6], [sflag:s4] =	dma.local [hbm:s3], $0xF7A  }
0x26: {  	[smem:$0x3F9D] =	sst s1;
	(tag) =	ssettag s2;
	_ =	strace s9  }
0x27: {  	s1 =	sld [smem:$0x3FAD]  }
0x28: {  	s2 =	sld [smem:$0x3FAE]  }
0x29: {  	s4 =	sld [smem:$0x3FB0]  }
0x2a: {  	p0 =	seq.s32 s5, $0x0;
	s5 =	sld [smem:$0x3FB1]  }
0x2b: {  	s6 =	sld [smem:$0x3FB2]  }
0x2c: {  	s7 =	sld [smem:$0x3FB3]  }
0x2d: {  	s3 =	simm.s32 $0x108;
	s8 =	sld [smem:$0x3FB4]  }
0x2e: {  	s3 =	simm.s32 @!p0 $0x1082;
	s9 =	sld [smem:$0x3FB5]  }
0x2f: {  	lr =	sadd.s32 s0, s3;
	s0 =	sld [smem:$0x3FAC]  }
0x30: {  	s3 =	sld [smem:$0x3FAF]  }
0x31: {  	[smem:$0x3FB8] =	sst s10  }
0x32: {  	s10 =	sld [smem:$0x3FB6];
	_ =	sdelay $0x3  }
0x33: {  	p0 =	seq.s32 s10, $0x1;
	s10 =	sld [smem:$0x3FB8];
	_ =	sdelay $0x3  }
0x34: {  	[smem:$0x3FB8] =	sst s10  }
0x35: {  	s10 =	sld [smem:$0x3FB7];
	_ =	sdelay $0x3  }
0x36: {  	p1 =	seq.s32 s10, $0x1;
	s10 =	sld [smem:$0x3FB8];
	_ =	sdelay $0x3  }
0x37: {  	[smem:$0x3FB8] =	sst s10  }
0x38: {  	s10 =	sld [smem:$0x3FB9]  }
0x39: {  	_ = 	snop;
	(pc) =	sbr.ind lr, $3  }
0x3a: {  	_ = 	snop  }
0x3b: {  	_ = 	snop  }
0x3c: {  	p2 =	seq.s32 s10, $0x1;
	s10 =	sld [smem:$0x3FB8]  }
0x3d: {  	_ =	shalt  }
0x3e: {  	_ =	shalt  }
0x3f: {  	_ =	shalt  }
0x40: {  	_ =	shalt  }
0x41: {  	_ =	shalt  }
0x42: {  	_ =	shalt  }
0x43: {  	_ =	shalt  }
0x44: {  	_ =	shalt  }
0x45: {  	_ =	shalt  }
0x46: {  	_ =	shalt  }
0x47: {  	_ =	shalt  }
0x48: {  	_ =	shalt  }
0x49: {  	_ =	shalt  }
0x4a: {  	_ =	shalt  }
0x4b: {  	_ =	shalt  }
0x4c: {  	_ =	shalt  }
0x4d: {  	_ =	shalt  }
0x4e: {  	_ =	shalt  }
0x4f: {  	_ =	shalt  }
0x50: {  	_ =	shalt  }
0x51: {  	_ =	shalt  }
0x52: {  	_ =	shalt  }
0x53: {  	_ =	shalt  }
0x54: {  	_ =	shalt  }
0x55: {  	_ =	shalt  }
0x56: {  	_ =	shalt  }
0x57: {  	_ =	shalt  }
0x58: {  	_ =	shalt  }
0x59: {  	_ =	shalt  }
0x5a: {  	_ =	shalt  }
0x5b: {  	_ =	shalt  }
0x5c: {  	_ =	shalt  }
0x5d: {  	_ =	shalt  }
0x5e: {  	_ =	shalt  }
0x5f: {  	_ =	shalt  }
0x60: {  	_ =	shalt  }
0x61: {  	_ =	shalt  }
0x62: {  	_ =	shalt  }
0x63: {  	_ =	shalt  }
0x64: {  	_ =	shalt  }
0x65: {  	_ =	shalt  }
0x66: {  	_ =	shalt  }
0x67: {  	_ =	shalt  }
0x68: {  	_ =	shalt  }
0x69: {  	_ =	shalt  }
0x6a: {  	_ =	shalt  }
0x6b: {  	_ =	shalt  }
0x6c: {  	_ =	shalt  }
0x6d: {  	_ =	shalt  }
0x6e: {  	_ =	shalt  }
0x6f: {  	_ =	shalt  }
0x70: {  	_ =	shalt  }
0x71: {  	_ =	shalt  }
0x72: {  	_ =	shalt  }
0x73: {  	_ =	shalt  }
0x74: {  	_ =	shalt  }
0x75: {  	_ =	shalt  }
0x76: {  	_ =	shalt  }
0x77: {  	_ =	shalt  }
0x78: {  	_ =	shalt  }
0x79: {  	_ =	shalt  }
0x7a: {  	_ =	shalt  }
0x7b: {  	_ =	shalt  }
0x7c: {  	_ =	shalt  }
0x7d: {  	_ =	shalt  }
0x7e: {  	_ =	shalt  }
0x7f: {  	_ =	shalt  }
0x80: {  	_ =	shalt  }
0x81: {  	_ =	shalt  }
0x82: {  	_ =	shalt  }
0x83: {  	_ =	shalt  }
0x84: {  	_ =	shalt  }
0x85: {  	_ =	shalt  }
0x86: {  	_ =	shalt  }
0x87: {  	_ =	shalt  }
.Lfunc_end0:
.L_simem_size_0:
called_computation_lowered:
.L_overlay_start_0:
0x88: {  	s2 =	sld [smem:$0x3FD9]  }
0x89: {  	s3 =	sld [smem:$0x3FFE];
	_ =	sdelay $0x1  }
0x8a: {  	s1 =	srdreg.scid  }
0x8b: {  	s0 =	sand.u32 $0x1, s1  }
0x8c: {  	s14 =	sshll.u32 s0, $0xA;
	s2 =	sadd.s32 s3, s2  }
0x8d: {  	s2 =	sadd.s32 s2, s14  }
0x8e: {  	[smem:$0x3FC4] =	sst s2  }
0x8f: {  	_ = 	snop  }
0x90: {  	s2 =	sld [smem:$0x3FC9]  }
0x91: {  	s15 =	sld [smem:$0x3FD0]  }
0x92: {  	s4 =	sld [smem:$0x3FC8]  }
0x93: {  	s5 =	sld [smem:$0x3FC7]  }
0x94: {  	s7 =	simm.s32 $0xA;
	s8 =	simm.s32 $0x10;
	s6 =	sld [smem:$0x3FC6]  }
0x95: {  	[smem:s8], [sflag:s7] =	dma.local [hbm:s15], $0x1  }
0x96: {  	_ =	swait.eq [sflag:s7], $0x1  }
0x97: {  	[sflag:s7] =	ssyncset.done $0x0  }
0x98: {  	[sflag:s7] =	ssyncadd.s32 $0xFFFFFFFF  }
0x99: {  	s16 =	sld [smem:$0x11];
	(tm) =	ssettm $0x1  }
0x9a: {  	s17 =	sld [smem:$0x3FFB];
	_ =	sdelay $0x3  }
0x9b: {  	_ =	strace s17  }
0x9c: {  	s7 =	sld [smem:$0x3FFC];
	_ =	sdelay $0x3  }
0x9d: {  	_ =	strace s7  }
0x9e: {  	s7 =	sld [smem:$0x3FFD];
	_ =	sdelay $0x3  }
0x9f: {  	_ =	strace s7  }
0xa0: {  	_ =	strace $0x8FFFFFFF  }
0xa1: {  	s18 =	sld [smem:$0x3FDB];
	_ =	sdelay $0x1  }
0xa2: {  	s19 =	simm.s32 $_scs_section_size  }
0xa3: {  	s9 =	simm.s32 $_size__tile_overlayer_lowered;
	s10 =	simm.s32 $_tile_overlayer_lowered  }
0xa4: {  	s22 =	simm.s32 $0x1BFF;
	s21 =	sshll.u32 s10, $0x1;
	s7 =	sadd.s32 s19, s18  }
0xa5: {  	s11 =	simm.s32 $0x0;
	s20 =	sshll.u32 s9, $0x1;
	s9 =	sadd.s32 s21, s7  }
0xa6: {  	[timem:s11], [sflag:s22] =	dma.local [hbm:s9], s20  }
0xa7: {  	_ =	swait.ge [sflag:s22], s20  }
0xa8: {  	s8 =	ssub.s32 $0x0, s20;
	[sflag:s22] =	ssyncset.done $0x0  }
0xa9: {  	[sflag:s22] =	ssyncadd.s32 s8;
	_ =	sdelay $0x1  }
0xaa: {  	s23 =	simm.s32 $0x1B8B  }
0xab: {  	_ =	swait.ge [sflag:s23], $0x1  }
0xac: {  	[sflag:s23] =	ssyncset.done $0x0  }
0xad: {  	s25 =	simm.s32 $0x1B8E;
	s24 =	sld [smem:$0x3FFE];
	[sflag:s23] =	ssyncadd.s32 $0xFFFFFFFF  }
0xae: {  	s26 =	simm.s32 $execute0_lowered;
	[smem:$0x3FD2] =	sst s25  }
0xaf: {  	s9 =	sshll.u32 s26, $0x1;
	_ =	strace $0x80000046;
	[dreg:$0x1] =	wrdreg $0xFFFFFFFF  }
0xb0: {  	s28 =	simm.s32 $_size_execute0_lowered;
	s7 =	sadd.s32 s7, s9;
	[dreg:$0x0] =	wrdreg $0x0  }
0xb1: {  	s9 =	sshll.u32 s28, $0x1;
	[dreg:$0x2] =	wrdreg s7  }
0xb2: {  	[dreg:$0x3] =	wrdreg s9  }
0xb3: {  	[dreg:$0x4] =	wrdreg $0xC0  }
0xb4: {  	_ =	task [dreg:s11], $0x5FFFF  }
0xb5: {  	[dreg:$0x1] =	wrdreg $0xFFFFFFFF  }
0xb6: {  	[dreg:$0x0] =	wrdreg $0x60  }
0xb7: {  	[dreg:$0x2] =	wrdreg s2  }
0xb8: {  	[dreg:$0x3] =	wrdreg s4  }
0xb9: {  	[dreg:$0x4] =	wrdreg s5  }
0xba: {  	[dreg:$0x5] =	wrdreg s6  }
0xbb: {  	[dreg:$0x6] =	wrdreg s16  }
0xbc: {  	[dreg:$0x7] =	wrdreg s24  }
0xbd: {  	[dreg:$0x8] =	wrdreg $0x36800  }
0xbe: {  	[dreg:$0x9] =	wrdreg $0x9  }
0xbf: {  	_ =	task.clear_ibuf [dreg:s11], $0xAFFFF;
	_ =	strace $0x90000046  }
0xc0: {  	s29 =	simm.s32 $0x9;
	_ =	strace $0x80000048  }
0xc1: {  	_ =	swait.ge [sflag:s29], $0x1  }
0xc2: {  	[sflag:s29] =	ssyncadd.s32 $0xFFFFFFFF  }
0xc3: {  	_ =	strace $0x90000048  }
0xc4: {  	_ =	sfence  }
0xc5: {  	s30 =	sld [smem:$0x0];
	_ =	sdelay $0x2  }
0xc6: {  	s31 =	sshll.u32 s1, $0xD;
	s1 =	sshrl.u32 s1, $0x2  }
0xc7: {  	s3 =	sand.u32 $0x4000, s31;
	s1 =	sadd.s32 s1, s30  }
0xc8: {  	s0 =	sor.u32 s3, s0;
	s1 =	sshll.u32 s1, $0x11  }
0xc9: {  	s0 =	sor.u32 s1, s0  }
0xca: {  	s0 =	sadd.s32 $0x8F2B, s0  }
0xcb: {  	[sflag:s0] =	ssyncadd.remote.s32 $0x1  }
0xcc: {  	_ =	sfence.sel $0xFFFF  }
0xcd: {  	[dreg:$0x0] =	wrdreg $0xFFFFFFFF;
	(pc) =	sbr.abs _section_cstart, $3  }
0xce: {  	[dreg:$0x1] =	wrdreg $0xFFFFFFFF  }
0xcf: {  	_ =	task.clear_ibuf [dreg:s11], $0x2FFFF;
	_ =	strace $0x9FFFFFFF  }
0xd0: {  	(tm) =	ssettm $0x7FFFFFFF  }
0xd1: {  	_ =	shalt  }
tec
execute0_lowered:
.L_overlay_start_1:
0x0: {  	(tag) =	ssettag $0x1  }
0x1: {  	s1 =	rddreg [dreg:$0x0]  }
0x2: {  	s2 =	rddreg [dreg:$0x1]  }
0x3: {  	s4 =	rddreg [dreg:$0x2]  }
0x4: {  	s0 =	rddreg [dreg:$0x3]  }
0x5: {  	s12 =	rddreg [dreg:$0x4]  }
0x6: {  	s3 =	srdreg.scid;
	s5 =	rddreg [dreg:$0x5]  }
0x7: {  	s18 =	rddreg [dreg:$0x6];
	s16 =	stileid.u32;
	s19 =	simm.s32 $0x100  }
0x8: {  	s20 =	simm.s32 $0x180;
	s29 =	simm.s32 $0x2;
	s30 =	simm.s32 $0x1  }
0x9: {  	s31 =	simm.s32 $0x800;
	s6 =	sand.u32 $0x1, s3;
	s3 =	simm.s32 $0x0  }
0xa: {  	s9 =	sshll.u32 s16, $0x1;
	s28 =	sshll.u32 s16, $0x4;
	s7 =	sshll.u32 s6, $0x4  }
0xb: {  	[smem:$0x7FF] =	sst s3;
	s23 =	ssub.s32 $0x2, s6;
	s11 =	sand.u32 $0x6, s9  }
0xc: {  	s13 =	sor.u32 s16, s7;
	_ =	strace $0x80000047;
	s14 =	sadd.s32 s7, s5  }
0xd: {  	s6 =	sshrl.u32 s23, $0x1;
	s26 =	sadd.s32 s11, s0;
	s8 =	smul.u32 $0x2A10, s13  }
0xe: {  	s15 =	sshll.u32 s13, $0x6;
	s17 =	ssub.s32 s23, s6;
	s11 =	sadd.s32 $0x1E840, s26  }
0xf: {  	p0 =	slt.u32 s13, $0x4;
	s13 =	sadd.s32 s28, s18;
	s14 =	sadd.s32 $0x600, s14  }
0x10: {  	s18 =	simm.s32 $0x80;
	s4 =	sadd.s32 s4, s15;
	s9 =	sadd.s32 s1, s15  }
0x11: {  	s10 =	sadd.s32 s2, s15;
	s1 =	simm.f32 $1.000000000e+00;
	s12 =	sadd.s32 s12, s15  }
0x12: {  	s15 =	smax.u32 s17, $0x1;
	s17 =	simm.s32 $0x3;
	s2 =	simm.s32 $0x0  }
0x13: {  	s24 =	sshrl.u32 s8, $0x3;
	s6 =	sadd.s32 $0x10, s4;
	s7 =	sadd.s32 $0x20, s4  }
0x14: {  	s8 =	sadd.s32 $0x30, s4;
	s1 =	simm.s32 @!p0 $0x0;
	s25 =	sadd.s32 s0, s24  }
0x15: {  	p0 =	sne.s32 s16, $0x0;
	v0 =	vmov s1;
	s1 =	simm.s32 $0x3500;
	s5 =	sadd.s32 $0x14000, s25  }
.LBB2_1:
0x16: {  	s16 =	simm.s32 $0xA00  }
0x17: {  	[tilespmem:s16], [sflag:$0x2] =	stream.linear.gather [hbm4b:s5+s3], $0x2A10, $0x38;
	[tilespmem:$0x3690] =	vst v63  }
0x18: {  	_ = 	snop  }
0x19: {  	[tilespmem:s3], [sflag:$0x3] =	stream.linear.gather [hbm4b:s4+s3], $0x80, $0x38;
	[tilespmem:$0x3690] =	vst v63  }
0x1a: {  	_ =	swait.ge [sflag:s17], $0x80  }
0x1b: {  	[sflag:s17] =	ssyncset.done $0x0  }
0x1c: {  	[sflag:s17] =	ssyncadd.s32 $0xFFFFFF80  }
0x1d: {  	[tilespmem:s18], [sflag:$0x3] =	stream.linear.gather [hbm4b:s6+s3], $0x80, $0x38;
	[tilespmem:$0x3690] =	vst v63  }
0x1e: {  	_ =	swait.ge [sflag:s17], $0x80  }
0x1f: {  	[sflag:s17] =	ssyncset.done $0x0  }
0x20: {  	[sflag:s17] =	ssyncadd.s32 $0xFFFFFF80  }
0x21: {  	[tilespmem:s19], [sflag:$0x3] =	stream.linear.gather [hbm4b:s7+s3], $0x80, $0x38;
	[tilespmem:$0x3690] =	vst v63  }
0x22: {  	_ =	swait.ge [sflag:s17], $0x80  }
0x23: {  	[sflag:s17] =	ssyncset.done $0x0  }
0x24: {  	[sflag:s17] =	ssyncadd.s32 $0xFFFFFF80  }
0x25: {  	[tilespmem:s20], [sflag:$0x3] =	stream.linear.gather [hbm4b:s8+s3], $0x80, $0x38;
	[tilespmem:$0x3690] =	vst v63  }
0x26: {  	_ =	swait.ge [sflag:s17], $0x80  }
0x27: {  	[sflag:s17] =	ssyncset.done $0x0  }
0x28: {  	s26 =	simm.s32 $0x200;
	[sflag:s17] =	ssyncadd.s32 $0xFFFFFF80  }
0x29: {  	[tilespmem:s26], [sflag:$0x1] =	stream.indirect.gather [hbm4b:s0+s18], $0x1, s3, s18, $0xb8;
	[tilespmem:$0x3690] =	vst v63  }
0x2a: {  	s28 =	simm.s32 $0x280  }
0x2b: {  	[tilespmem:s28], [sflag:$0x1] =	stream.indirect.gather [hbm4b:s0+s18], $0x1, s18, s18, $0xb8;
	[tilespmem:$0x3690] =	vst v63  }
0x2c: {  	s21 =	simm.s32 $0x300  }
0x2d: {  	[tilespmem:s21], [sflag:$0x1] =	stream.indirect.gather [hbm4b:s0+s18], $0x1, s19, s18, $0xb8;
	[tilespmem:$0x3690] =	vst v63  }
0x2e: {  	s22 =	simm.s32 $0x380  }
0x2f: {  	[tilespmem:s22], [sflag:$0x1] =	stream.indirect.gather [hbm4b:s0+s18], $0x1, s20, s18, $0xb8;
	[tilespmem:$0x3690] =	vst v63  }
0x30: {  	s23 =	simm.s32 $0x400  }
0x31: {  	[tilespmem:s23], [sflag:$0x3] =	stream.linear.gather [hbm4b:s9+s3], $0x200, $0x38;
	[tilespmem:$0x3690] =	vst v63  }
0x32: {  	_ =	swait.ge [sflag:s17], $0x200  }
0x33: {  	[sflag:s17] =	ssyncset.done $0x0  }
0x34: {  	s24 =	simm.s32 $0x600;
	[sflag:s17] =	ssyncadd.s32 $0xFFFFFE00  }
0x35: {  	[tilespmem:s24], [sflag:$0x3] =	stream.linear.gather [hbm4b:s10+s3], $0x200, $0x38;
	[tilespmem:$0x3690] =	vst v63  }
0x36: {  	_ =	swait.ge [sflag:s17], $0x200  }
0x37: {  	[sflag:s17] =	ssyncset.done $0x0  }
0x38: {  	s25 =	simm.s32 $0x3480;
	[sflag:s17] =	ssyncadd.s32 $0xFFFFFE00  }
0x39: {  	[tilespmem:s25], [sflag:$0x3] =	stream.linear.gather [hbm4b:s11+s3], $0x10, $0x38;
	[tilespmem:$0x3690] =	vst v63  }
0x3a: {  	_ =	swait.ge [sflag:s17], $0x10  }
0x3b: {  	[sflag:s17] =	ssyncset.done $0x0  }
0x3c: {  	[sflag:s17] =	ssyncadd.s32 $0xFFFFFFF0  }
0x3d: {  	_ =	swait.ge [sflag:s29], $0x2A10  }
0x3e: {  	[sflag:s29] =	ssyncset.done $0x0  }
0x3f: {  	s26 =	simm.s32 $0x0;
	[sflag:s29] =	ssyncadd.s32 $0xFFFFD5F0  }
0x40: {  	v3 =	vld [tilespmem:s26+$0xA10]  }
0x41: {  	v5 =	vld [tilespmem:s26+$0xA00]  }
0x42: {  	v6 =	vld [tilespmem:s26+$0xA70]  }
0x43: {  	v2 =	vld [tilespmem:s26+$0xA60]  }
0x44: {  	v4 =	vld [tilespmem:s26+$0xA50];
	_ =	sdelay $0x1  }
0x45: {  	v7 =	vld [tilespmem:s26+$0xA20];
	v8 =	vsub.f32 $0.0e+00, v3;
	v11 =	vsub.f32 $0.0e+00, v5  }
0x46: {  	v9 =	vld [tilespmem:s26+$0xA30];
	v13 =	vsub.f32 $0.0e+00, v6  }
0x47: {  	v12 =	vld [tilespmem:s26+$0xA40];
	v3 =	vmin.f32 v3, v8;
	v8 =	vsub.f32 $0.0e+00, v2;
	v5 =	vmin.f32 v5, v11  }
0x48: {  	s28 =	simm.s32 $0x80;
	v10 =	vsub.f32 $0.0e+00, v4;
	v6 =	vmin.f32 v6, v13;
	v5 =	vmul.f32 $1.442695020e+00, v5  }
0x49: {  	v6 =	vmul.f32 $1.442695020e+00, v6;
	v2 =	vmin.f32 v2, v8;
	v8 =	vld [tilespmem:s28+$0xA10]  }
0x4a: {  	v4 =	vmin.f32 v4, v10;
	v10 =	vsub.f32 $0.0e+00, v7;
	v11 =	vld [tilespmem:s28+$0xA00];
	(erf) = vpow2.f32 v5  }
0x4b: {  	v4 =	vmul.f32 $1.442695020e+00, v4;
	v5 =	vsub.f32 $0.0e+00, v9;
	(erf) = vpow2.f32 v6;
	v6 =	vld [tilespmem:s28+$0xA70]  }
0x4c: {  	v13 =	vsub.f32 $0.0e+00, v12;
	v3 =	vmul.f32 $1.442695020e+00, v3;
	v7 =	vmin.f32 v7, v10  }
0x4d: {  	v10 =	vld [tilespmem:s28+$0xA50];
	v2 =	vmul.f32 $1.442695020e+00, v2;
	(erf) = vpow2.f32 v4;
	v4 =	vmin.f32 v9, v5  }
0x4e: {  	v5 =	vmin.f32 v12, v13;
	v4 =	vmul.f32 $1.442695020e+00, v4;
	v9 =	vsub.f32 $0.0e+00, v8  }
0x4f: {  	v14 =	vld [tilespmem:s28+$0xA60];
	v12 =	vsub.f32 $0.0e+00, v11;
	(erf) = vpow2.f32 v2;
	v2 =	vmul.f32 $1.442695020e+00, v5  }
0x50: {  	(erf) = vpow2.f32 v3;
	v8 =	vmin.f32 v8, v9;
	v9 =	vsub.f32 $0.0e+00, v6  }
0x51: {  	v7 =	vmul.f32 $1.442695020e+00, v7;
	v5 =	vld [tilespmem:s28+$0xA20];
	(erf) = vpow2.f32 v4  }
0x52: {  	v3 =	vsub.f32 $0.0e+00, v10;
	v11 =	vmin.f32 v11, v12;
	v4 =	vld [tilespmem:s28+$0xA40];
	(erf) = vpow2.f32 v2  }
0x53: {  	v2 =	vld [tilespmem:s28+$0xA30];
	(erf) = vpow2.f32 v7;
	v7 =	vmul.f32 $1.442695020e+00, v11;
	v6 =	vmin.f32 v6, v9  }
0x54: {  	v13 =	vsub.f32 $0.0e+00, v14;
	v6 =	vmul.f32 $1.442695020e+00, v6;
	v9 =	vpop (erf)  }
0x55: {  	v3 =	vmin.f32 v10, v3;
	(erf) = vpow2.f32 v7;
	v12 =	vpop (erf);
	v7 =	vadd.f32 $1.000000000e+00, v9  }
0x56: {  	v3 =	vmul.f32 $1.442695020e+00, v3;
	v10 =	vsub.f32 $0.0e+00, v5;
	(erf) = vpow2.f32 v6;
	v9 =	vpop (erf)  }
0x57: {  	s21 =	simm.s32 $0x100;
	v11 =	vmin.f32 v14, v13;
	(erf) = vrcp.f32 v7;
	v7 =	vadd.f32 $1.000000000e+00, v9  }
0x58: {  	v14 =	vld [tilespmem:s21+$0xA10];
	v5 =	vmin.f32 v5, v10;
	v10 =	vsub.f32 $0.0e+00, v4;
	v13 =	vsub.f32 $0.0e+00, v2;
	v6 =	vpop (erf)  }
0x59: {  	v11 =	vmul.f32 $1.442695020e+00, v11;
	v12 =	vadd.f32 $1.000000000e+00, v12;
	v9 =	vpop (erf);
	(erf) = vpow2.f32 v3  }
0x5a: {  	v4 =	vmin.f32 v4, v10;
	v10 =	vld [tilespmem:s21+$0xA50];
	v2 =	vmin.f32 v2, v13;
	v3 =	vpop (erf);
	(erf) = vrcp.f32 v7  }
0x5b: {  	v13 =	vld [tilespmem:s21+$0xA60];
	v16 =	vmul.f32 $1.442695020e+00, v2;
	v2 =	vadd.f32 $1.000000000e+00, v9;
	(erf) = vrcp.f32 v12;
	v7 =	vpop (erf)  }
0x5c: {  	v15 =	vld [tilespmem:s21+$0xA00];
	v9 =	vpop (erf);
	(erf) = vpow2.f32 v11  }
0x5d: {  	v8 =	vmul.f32 $1.442695020e+00, v8;
	(erf) = vrcp.f32 v2;
	v2 =	vsub.f32 $0.0e+00, v14  }
0x5e: {  	v1 =	vimm.f32 $0.0e+00;
	v17 =	vld [tilespmem:s21+$0xA20];
	v5 =	vmul.f32 $1.442695020e+00, v5;
	v7 =	vadd.f32 $1.000000000e+00, v7  }
0x5f: {  	v4 =	vmul.f32 $1.442695020e+00, v4;
	v9 =	vadd.f32 $1.000000000e+00, v9;
	v18 =	vpop (erf);
	(erf) = vpow2.f32 v8  }
0x60: {  	v20 =	vld [tilespmem:s21+$0xA70];
	v8 =	vsub.f32 $0.0e+00, v10;
	v22 =	vpop (erf);
	(erf) = vrcp.f32 v7;
	v7 =	vsub.f32 $0.0e+00, v13  }
0x61: {  	v12 =	vmin.f32 v14, v2;
	v2 =	vpop (erf);
	(erf) = vrcp.f32 v9;
	v9 =	vsub.f32 $0.0e+00, v15  }
0x62: {  	v6 =	vadd.f32 $1.000000000e+00, v6;
	v3 =	vadd.f32 $1.000000000e+00, v3;
	v7 =	vmin.f32 v13, v7  }
0x63: {  	v14 =	vld [tilespmem:s21+$0xA40];
	v8 =	vmin.f32 v10, v8;
	v10 =	vsub.f32 $0.0e+00, v17;
	v9 =	vmin.f32 v15, v9  }
0x64: {  	v23 =	vadd.f32 $1.000000000e+00, v18;
	v22 =	vadd.f32 $1.000000000e+00, v22;
	v19 =	vmul.f32 $1.442695020e+00, v8  }
0x65: {  	v13 =	vsub.f32 $0.0e+00, v20;
	(erf) = vpow2.f32 v16;
	v15 =	vmul.f32 $1.442695020e+00, v7;
	v7 =	vpop (erf)  }
0x66: {  	v8 =	vimm.f32 $0.0e+00;
	(erf) = vrcp.f32 v6;
	v6 =	vmul.f32 $1.442695020e+00, v9;
	v9 =	vpop (erf)  }
0x67: {  	v2 =	vadd.f32 v2, v1;
	(erf) = vpow2.f32 v4;
	v4 =	vmin.f32 v17, v10;
	v10 =	vpop (erf)  }
0x68: {  	v16 =	vld [tilespmem:s21+$0xA30];
	v11 =	vmul.f32 $1.442695020e+00, v4;
	v4 =	vsub.f32 $0.0e+00, v14;
	(erf) = vrcp.f32 v3;
	v17 =	vpop (erf)  }
0x69: {  	v21 =	vadd.f32 $1.000000000e+00, v7;
	v3 =	vmin.f32 v20, v13;
	(erf) = vpow2.f32 v5;
	v5 =	vpop (erf)  }
0x6a: {  	v7 =	vimm.f32 $0.0e+00;
	v3 =	vmul.f32 $1.442695020e+00, v3;
	v18 =	vmin.f32 v14, v4;
	v20 =	vpop (erf)  }
0x6b: {  	v4 =	vimm.f32 $0.0e+00;
	(erf) = vpow2.f32 v6;
	v6 =	vimm.f32 $0.0e+00;
	v13 =	vpop (erf)  }
0x6c: {  	s16 =	simm.s32 $0x600;
	(erf) = vpow2.f32 v3;
	v3 =	vadd.f32 v5, v1;
	v5 =	vimm.f32 $0.0e+00;
	v14 =	vpop (erf)  }
.LBB2_2:
0x6d: {  	s21 =	sshra.s32 s16, $0x2;
	p1 =	sne.s32 s16, $0xA600;
	s16 =	sadd.s32 $0x200, s16;
	v24 =	vsub.f32 $0.0e+00, v16;
	(erf) = vrcp.f32 v23;
	v1 =	vadd.f32 v14, v1  }
0x6e: {  	v4 =	vadd.f32 v13, v4;
	v5 =	vadd.f32 v10, v5;
	v14 =	vld [tilespmem:s21+$0xA60];
	(erf) = vpow2.f32 v19;
	v19 =	vpop (erf)  }
0x6f: {  	v17 =	vadd.f32 $1.000000000e+00, v17;
	v10 =	vld [tilespmem:s21+$0xA10];
	v13 =	vmin.f32 v16, v24;
	(erf) = vrcp.f32 v21;
	v16 =	vpop (erf)  }
0x70: {  	v18 =	vmul.f32 $1.442695020e+00, v18;
	v21 =	vld [tilespmem:s21+$0xA50];
	v23 =	vpop (erf);
	(erf) = vrcp.f32 v22;
	v8 =	vadd.f32 v16, v8  }
0x71: {  	v6 =	vadd.f32 v9, v6;
	v13 =	vmul.f32 $1.442695020e+00, v13;
	v16 =	vadd.f32 $1.000000000e+00, v20;
	v22 =	vld [tilespmem:s21+$0xA00];
	v9 =	vpop (erf)  }
0x72: {  	v12 =	vmul.f32 $1.442695020e+00, v12;
	v20 =	vld [tilespmem:s21+$0xA20];
	(erf) = vpow2.f32 v15;
	v15 =	vpop (erf);
	v7 =	vadd.f32 v9, v7  }
0x73: {  	v30 =	vadd.f32 $1.000000000e+00, v23;
	v24 =	vld [tilespmem:s21+$0xA40];
	v9 =	vadd.f32 $1.000000000e+00, v15;
	(erf) = vrcp.f32 v16  }
0x74: {  	v31 =	vsub.f32 $0.0e+00, v10;
	v16 =	vld [tilespmem:s21+$0xA30];
	v25 =	vpop (erf);
	(erf) = vpow2.f32 v12  }
0x75: {  	v29 =	vadd.f32 $1.000000000e+00, v19;
	v26 =	vsub.f32 $0.0e+00, v21;
	v27 =	vld [tilespmem:s21+$0xA70];
	v28 =	vpop (erf);
	(erf) = vrcp.f32 v30  }
0x76: {  	v30 =	vsub.f32 $0.0e+00, v14;
	v12 =	vmin.f32 v10, v31;
	v15 =	vpop (erf);
	(erf) = vrcp.f32 v9  }
0x77: {  	v19 =	vsub.f32 $0.0e+00, v22;
	v21 =	vmin.f32 v21, v26;
	v23 =	vpop (erf);
	v2 =	vadd.f32 v15, v2  }
0x78: {  	v26 =	vsub.f32 $0.0e+00, v20;
	v14 =	vmin.f32 v14, v30;
	(erf) = vpow2.f32 v13;
	v9 =	vpop (erf)  }
0x79: {  	v13 =	vmin.f32 v22, v19;
	v15 =	vmul.f32 $1.442695020e+00, v14;
	(erf) = vrcp.f32 v17;
	v10 =	vpop (erf)  }
0x7a: {  	v13 =	vmul.f32 $1.442695020e+00, v13;
	v14 =	vsub.f32 $0.0e+00, v27;
	(erf) = vpow2.f32 v18  }
.Ltmp0:
0x7b: {  	v19 =	vmul.f32 $1.442695020e+00, v21;
	v18 =	vmin.f32 v20, v26;
	v17 =	vpop (erf);
	(erf) = vrcp.f32 v29;
	(pc) =	sbr.rel @p1 .LBB2_2-.Ltmp0, $4  }
0x7c: {  	v14 =	vmin.f32 v27, v14;
	(erf) = vpow2.f32 v11;
	v11 =	vmul.f32 $1.442695020e+00, v18;
	v26 =	vpop (erf)  }
0x7d: {  	v21 =	vadd.f32 $1.000000000e+00, v23;
	v18 =	vsub.f32 $0.0e+00, v24;
	v27 =	vmul.f32 $1.442695020e+00, v14;
	v20 =	vpop (erf)  }
0x7e: {  	v23 =	vadd.f32 $1.000000000e+00, v25;
	v22 =	vadd.f32 $1.000000000e+00, v28;
	(erf) = vpow2.f32 v13;
	v13 =	vpop (erf)  }
0x7f: {  	v3 =	vadd.f32 v26, v3;
	v18 =	vmin.f32 v24, v18;
	(erf) = vpow2.f32 v27;
	v14 =	vpop (erf)  }
0x80: {  	(erf) = vrcp.f32 v23  }
0x81: {  	(erf) = vpow2.f32 v19  }
0x82: {  	v19 =	vpop (erf);
	(erf) = vrcp.f32 v21  }
0x83: {  	v21 =	vpop (erf);
	(erf) = vrcp.f32 v22;
	v22 =	vsub.f32 $0.0e+00, v16  }
0x84: {  	v20 =	vadd.f32 $1.000000000e+00, v20;
	v23 =	vpop (erf)  }
0x85: {  	v12 =	vmul.f32 $1.442695020e+00, v12;
	v24 =	vpop (erf);
	(erf) = vpow2.f32 v15;
	v16 =	vmin.f32 v16, v22  }
0x86: {  	v23 =	vadd.f32 $1.000000000e+00, v23;
	v15 =	vpop (erf);
	(erf) = vrcp.f32 v20  }
0x87: {  	v15 =	vadd.f32 $1.000000000e+00, v15;
	(erf) = vpow2.f32 v12  }
0x88: {  	v17 =	vadd.f32 $1.000000000e+00, v17;
	v12 =	vmul.f32 $1.442695020e+00, v16;
	v16 =	vpop (erf);
	(erf) = vrcp.f32 v23  }
0x89: {  	v20 =	vpop (erf);
	(erf) = vrcp.f32 v15;
	v15 =	vmul.f32 $1.442695020e+00, v18  }
0x8a: {  	v18 =	vpop (erf);
	(erf) = vpow2.f32 v12;
	v12 =	vadd.f32 $1.000000000e+00, v19  }
0x8b: {  	v19 =	vpop (erf);
	(erf) = vrcp.f32 v17  }
0x8c: {  	v17 =	vpop (erf);
	(erf) = vpow2.f32 v15  }
0x8d: {  	v15 =	vpop (erf);
	(erf) = vrcp.f32 v12  }
0x8e: {  	v12 =	vpop (erf);
	(erf) = vpow2.f32 v11  }
0x8f: {  	v22 =	vpop (erf)  }
0x90: {  	v11 =	vpop (erf)  }
0x91: {  	v16 =	vadd.f32 $1.000000000e+00, v16;
	v23 =	vpop (erf)  }
0x92: {  	v19 =	vadd.f32 $1.000000000e+00, v19;
	v25 =	vpop (erf)  }
0x93: {  	v20 =	vadd.f32 $1.000000000e+00, v20;
	v26 =	vpop (erf)  }
0x94: {  	v27 =	vpop (erf)  }
0x95: {  	(erf) = vrcp.f32 v16;
	v16 =	vpop (erf)  }
0x96: {  	v11 =	vadd.f32 $1.000000000e+00, v11;
	(erf) = vrcp.f32 v19;
	v19 =	vpop (erf)  }
0x97: {  	(erf) = vrcp.f32 v20;
	v16 =	vadd.f32 $1.000000000e+00, v16;
	v20 =	vpop (erf)  }
0x98: {  	(erf) = vrcp.f32 v11;
	v20 =	vadd.f32 $1.000000000e+00, v20  }
0x99: {  	v11 =	vadd.f32 $1.000000000e+00, v12;
	(erf) = vrcp.f32 v16  }
0x9a: {  	v12 =	vadd.f32 $1.000000000e+00, v26;
	(erf) = vrcp.f32 v20  }
0x9b: {  	(erf) = vrcp.f32 v11  }
0x9c: {  	(erf) = vrcp.f32 v12;
	_ =	sdelay $0x1  }
0x9d: {  	v16 =	vpop (erf)  }
0x9e: {  	v20 =	vpop (erf)  }
0x9f: {  	v59 =	vpop (erf)  }
0xa0: {  	v28 =	vpop (erf)  }
0xa1: {  	v29 =	vpop (erf)  }
0xa2: {  	v30 =	vpop (erf)  }
0xa3: {  	v31 =	vpop (erf)  }
0xa4: {  	v11 =	vld [tilespmem:$0x3480];
	v32 =	vpop (erf)  }
0xa5: {  	v12 =	vld [tilespmem:$0x3400];
	_ =	swait.ge [sflag:s30], $0x80  }
0xa6: {  	[sflag:s30] =	ssyncset.done $0x0  }
0xa7: {  	[sflag:s30] =	ssyncadd.s32 $0xFFFFFF80  }
0xa8: {  	_ =	swait.ge [sflag:s30], $0x80  }
0xa9: {  	[sflag:s30] =	ssyncset.done $0x0  }
0xaa: {  	[sflag:s30] =	ssyncadd.s32 $0xFFFFFF80  }
0xab: {  	_ =	swait.ge [sflag:s30], $0x80  }
0xac: {  	[sflag:s30] =	ssyncset.done $0x0  }
0xad: {  	[sflag:s30] =	ssyncadd.s32 $0xFFFFFF80  }
0xae: {  	_ =	swait.ge [sflag:s30], $0x80  }
0xaf: {  	[sflag:s30] =	ssyncset.done $0x0  }
0xb0: {  	s26 =	simm.s32 $0x0;
	[sflag:s30] =	ssyncadd.s32 $0xFFFFFF80  }
0xb1: {  	v33 =	vld [tilespmem:s26+$0x200];
	_ =	sdelay $0x4  }
0xb2: {  	v33 =	vsub.f32 $0.0e+00, v33;
	_ =	sdelay $0x1  }
0xb3: {  	s25 =	simm.s32 $0x10;
	v33 =	vmul.f32 $1.442695020e+00, v33  }
0xb4: {  	v34 =	vld [tilespmem:s25+$0x200]  }
0xb5: {  	(erf) = vpow2.f32 v33  }
0xb6: {  	s24 =	simm.s32 $0x20  }
0xb7: {  	v61 =	vld [tilespmem:s24+$0x200];
	_ =	sdelay $0x1  }
0xb8: {  	v60 =	vsub.f32 $0.0e+00, v34;
	_ =	sdelay $0x1  }
0xb9: {  	v33 =	vmul.f32 $1.442695020e+00, v60  }
0xba: {  	s22 =	simm.s32 $0x30;
	v62 =	vsub.f32 $0.0e+00, v61  }
0xbb: {  	v63 =	vld [tilespmem:s22+$0x200];
	(erf) = vpow2.f32 v33  }
0xbc: {  	v33 =	vmul.f32 $1.442695020e+00, v62;
	v35 =	vpop (erf)  }
0xbd: {  	v35 =	vadd.f32 $1.000000000e+00, v35  }
0xbe: {  	(erf) = vpow2.f32 v33  }
0xbf: {  	(erf) = vrcp.f32 v35  }
0xc0: {  	v5 =	vadd.f32 v10, v5;
	v10 =	vsub.f32 $0.0e+00, v63  }
0xc1: {  	v1 =	vadd.f32 v14, v1;
	v4 =	vadd.f32 v13, v4;
	s23 =	simm.s32 $0x40  }
0xc2: {  	v6 =	vadd.f32 v9, v6;
	v8 =	vadd.f32 v21, v8;
	v14 =	vld [tilespmem:s23+$0x200];
	v10 =	vmul.f32 $1.442695020e+00, v10  }
0xc3: {  	v2 =	vadd.f32 v18, v2;
	v13 =	vadd.f32 v15, v5  }
0xc4: {  	v15 =	vadd.f32 v17, v6;
	v1 =	vadd.f32 v25, v1;
	v9 =	vpop (erf);
	(erf) = vpow2.f32 v10  }
0xc5: {  	s21 =	simm.s32 $0x50;
	v6 =	vadd.f32 v16, v2;
	v9 =	vadd.f32 $1.000000000e+00, v9  }
0xc6: {  	v5 =	vadd.f32 v30, v1;
	v1 =	vadd.f32 v59, v13;
	v16 =	vld [tilespmem:s21+$0x200]  }
0xc7: {  	v13 =	vsub.f32 $0.0e+00, v14;
	v10 =	vadd.f32 v27, v8;
	v17 =	vpop (erf);
	(erf) = vrcp.f32 v9  }
0xc8: {  	v2 =	vpop (erf)  }
0xc9: {  	v9 =	vld [tilespmem:s26+$0x400];
	v18 =	vadd.f32 v2, v2;
	v2 =	vadd.f32 v31, v10;
	v10 =	vmul.f32 $1.442695020e+00, v13  }
0xca: {  	v7 =	vadd.f32 v24, v7;
	v3 =	vadd.f32 v22, v3  }
0xcb: {  	v17 =	vadd.f32 $1.000000000e+00, v17;
	v13 =	vsub.f32 $0.0e+00, v16  }
0xcc: {  	s16 =	simm.s32 $0x60;
	v7 =	vadd.f32 v19, v7;
	(erf) = vpow2.f32 v10  }
0xcd: {  	v19 =	vld [tilespmem:s16+$0x200];
	v8 =	vadd.f32 v28, v3;
	v13 =	vmul.f32 $1.442695020e+00, v13;
	v10 =	vpop (erf);
	(erf) = vrcp.f32 v17  }
0xce: {  	v14 =	vld [tilespmem:s26+$0x600];
	v3 =	vadd.f32 v20, v15;
	v15 =	vmul.f32 v18, v9;
	v10 =	vadd.f32 $1.000000000e+00, v10  }
0xcf: {  	v4 =	vadd.f32 v23, v4;
	v16 =	vld [tilespmem:s25+$0x400];
	(erf) = vpow2.f32 v13  }
0xd0: {  	v15 =	vmax.f32 v15, $0.0e+00;
	v17 =	vpop (erf);
	(erf) = vrcp.f32 v10  }
0xd1: {  	v4 =	vadd.f32 v29, v4;
	v7 =	vadd.f32 v32, v7;
	v15 =	vmin.f32 v15, $1.000000000e+00  }
0xd2: {  	v20 =	vadd.f32 v17, v17;
	[tilespmem:s26+$0x800] =	vst v15;
	v17 =	vsub.f32 $1.000000000e+00, v15  }
0xd3: {  	v9 =	vimm.f32 $0.0e+00;
	v18 =	vsub.f32 $1.000000000e+00, v14;
	s26 =	simm.s32 $0x1C0;
	v13 =	vld [tilespmem:s25+$0x600];
	v10 =	vimm.f32 $0.0e+00  }
.LBB2_4:
0xd4: {  	s28 =	sshra.s32 s26, $0x2;
	v21 =	vsub.f32 $0.0e+00, v19;
	v20 =	vmul.f32 v20, v16;
	v16 =	vld [tilespmem:s24+$0x400];
	v14 =	vmul.f32 v17, v14;
	p1 =	sne.s32 s26, $0x7C0  }
.Ltmp1:
0xd5: {  	v19 =	vld [tilespmem:s28+$0x200];
	v17 =	vpop (erf);
	v18 =	vmul.f32 v15, v18;
	(pc) =	sbr.rel @p1 .LBB2_4-.Ltmp1, $4  }
0xd6: {  	s26 =	sadd.s32 $0x40, s26;
	v21 =	vmul.f32 $1.442695020e+00, v21;
	v22 =	vpop (erf);
	v15 =	vmax.f32 v20, $0.0e+00;
	v9 =	vadd.f32 v14, v9  }
0xd7: {  	v23 =	vadd.f32 $1.000000000e+00, v17;
	v15 =	vmin.f32 v15, $1.000000000e+00;
	v10 =	vadd.f32 v18, v10  }
0xd8: {  	v20 =	vadd.f32 v22, v22;
	(erf) = vpow2.f32 v21;
	[tilespmem:s25+$0x800] =	vst v15;
	v17 =	vsub.f32 $1.000000000e+00, v15;
	v14 =	vmovc v13;
	s25 =	smov.u32 s24;
	s24 =	smov.u32 s22;
	s22 =	smov.u32 s23  }
0xd9: {  	s23 =	smov.u32 s21;
	s21 =	smov.u32 s16;
	s16 =	smov.u32 s28;
	(erf) = vrcp.f32 v23;
	v13 =	vld [tilespmem:s25+$0x600];
	v18 =	vsub.f32 $1.000000000e+00, v14  }
0xda: {  	v19 =	vsub.f32 $0.0e+00, v19;
	_ =	sdelay $0x1  }
0xdb: {  	v19 =	vmul.f32 $1.442695020e+00, v19;
	_ =	sdelay $0x1  }
0xdc: {  	(erf) = vpow2.f32 v19;
	_ =	sdelay $0x4  }
0xdd: {  	v53 =	vpop (erf)  }
0xde: {  	v21 =	vpop (erf)  }
0xdf: {  	v22 =	vpop (erf)  }
0xe0: {  	v24 =	vsub.f32 $0.0e+00, v12;
	v19 =	vadd.f32 $1.000000000e+00, v53;
	v23 =	vpop (erf)  }
0xe1: {  	v22 =	vadd.f32 $1.000000000e+00, v22;
	v25 =	vpop (erf)  }
0xe2: {  	v12 =	vmin.f32 v12, v24;
	(erf) = vrcp.f32 v19;
	v54 =	vadd.f32 $1.000000000e+00, v25  }
0xe3: {  	v12 =	vmul.f32 $1.442695020e+00, v12;
	(erf) = vrcp.f32 v22  }
0xe4: {  	(erf) = vrcp.f32 v54  }
0xe5: {  	(erf) = vpow2.f32 v12;
	_ =	sdelay $0x5  }
0xe6: {  	v16 =	vmul.f32 v20, v16;
	v56 =	vpop (erf)  }
0xe7: {  	v55 =	vld [tilespmem:s24+$0x400];
	v57 =	vpop (erf)  }
0xe8: {  	v59 =	vsub.f32 $0.0e+00, v11;
	v16 =	vmax.f32 v16, $0.0e+00;
	v58 =	vpop (erf)  }
0xe9: {  	v16 =	vmin.f32 v16, $1.000000000e+00;
	v60 =	vpop (erf)  }
0xea: {  	v21 =	vadd.f32 v21, v21;
	v11 =	vmin.f32 v11, v59;
	[tilespmem:s25+$0x800] =	vst v16;
	v61 =	vadd.f32 $1.000000000e+00, v60  }
0xeb: {  	v11 =	vmul.f32 $1.442695020e+00, v11;
	v62 =	vld [tilespmem:s22+$0x400]  }
0xec: {  	v12 =	vmul.f32 v21, v55;
	(erf) = vrcp.f32 v61  }
0xed: {  	(erf) = vpow2.f32 v11  }
0xee: {  	v6 =	vadd.f32 v8, v6;
	v24 =	vadd.f32 v23, v23;
	v12 =	vmax.f32 v12, $0.0e+00  }
0xef: {  	v14 =	vmul.f32 v17, v14;
	v12 =	vmin.f32 v12, $1.000000000e+00  }
0xf0: {  	v5 =	vadd.f32 v5, v6;
	v26 =	vmul.f32 v24, v62;
	[tilespmem:s24+$0x800] =	vst v12  }
0xf1: {  	v15 =	vmul.f32 v15, v18;
	v9 =	vadd.f32 v14, v9;
	v27 =	vsub.f32 $1.000000000e+00, v16;
	v25 =	vld [tilespmem:s23+$0x400]  }
0xf2: {  	v28 =	vsub.f32 $1.000000000e+00, v13;
	v5 =	vadd.f32 v7, v5;
	v63 =	vld [tilespmem:s24+$0x600];
	v14 =	vmax.f32 v26, $0.0e+00  }
0xf3: {  	v10 =	vadd.f32 v15, v10;
	v29 =	vmul.f32 v27, v13;
	v14 =	vmin.f32 v14, $1.000000000e+00  }
0xf4: {  	v15 =	vmul.f32 v16, v28;
	v4 =	vadd.f32 v4, v5;
	v30 =	vadd.f32 v56, v56;
	[tilespmem:s22+$0x800] =	vst v14  }
0xf5: {  	v9 =	vadd.f32 v29, v9;
	v36 =	vld [tilespmem:s21+$0x400];
	v34 =	vpop (erf)  }
0xf6: {  	v10 =	vadd.f32 v15, v10;
	v3 =	vadd.f32 v3, v4;
	v32 =	vld [tilespmem:s22+$0x600];
	v33 =	vmul.f32 v30, v25;
	v37 =	vpop (erf)  }
0xf7: {  	v35 =	vsub.f32 $1.000000000e+00, v63;
	v38 =	vadd.f32 $1.000000000e+00, v37  }
0xf8: {  	v41 =	vadd.f32 v57, v57;
	v31 =	vsub.f32 $1.000000000e+00, v12;
	v40 =	vld [tilespmem:s23+$0x600];
	v13 =	vmax.f32 v33, $0.0e+00  }
0xf9: {  	v12 =	vmul.f32 v12, v35;
	v13 =	vmin.f32 v13, $1.000000000e+00;
	(erf) = vrcp.f32 v38  }
0xfa: {  	v2 =	vadd.f32 v2, v3;
	v39 =	vsub.f32 $1.000000000e+00, v14;
	v46 =	vmul.f32 v41, v36;
	[tilespmem:s23+$0x800] =	vst v13  }
0xfb: {  	v10 =	vadd.f32 v12, v10;
	v43 =	vsub.f32 $1.000000000e+00, v32;
	v45 =	vld [tilespmem:s16+$0x400]  }
0xfc: {  	v53 =	vadd.f32 v58, v58;
	v11 =	vmul.f32 v31, v63;
	v12 =	vmax.f32 v46, $0.0e+00  }
0xfd: {  	v50 =	vsub.f32 $1.000000000e+00, v40;
	v47 =	vmul.f32 v14, v43;
	v52 =	vmin.f32 v12, $1.000000000e+00;
	v49 =	vld [tilespmem:s21+$0x600]  }
0xfe: {  	v44 =	vmul.f32 v39, v32;
	v48 =	vsub.f32 $1.000000000e+00, v13;
	v42 =	vadd.f32 v11, v9;
	[tilespmem:s21+$0x800] =	vst v52  }
0xff: {  	v1 =	vadd.f32 v1, v2;
	v5 =	vadd.f32 v47, v10;
	v54 =	vmul.f32 v13, v50;
	v55 =	vld [tilespmem:s16+$0x600]  }
0x100: {  	v51 =	vmul.f32 v48, v40;
	v6 =	vadd.f32 v44, v42;
	v56 =	vmul.f32 v53, v45  }
0x101: {  	v2 =	vsub.f32 $1.000000000e+00, v52;
	v5 =	vadd.f32 v54, v5  }
0x102: {  	v3 =	vadd.f32 v51, v6;
	v57 =	vsub.f32 $1.000000000e+00, v49;
	v6 =	vmax.f32 v56, $0.0e+00;
	v58 =	vpop (erf)  }
0x103: {  	v1 =	vadd.f32 v34, v1;
	v6 =	vmin.f32 v6, $1.000000000e+00;
	v59 =	vadd.f32 $-5.000000000e-01, v58  }
0x104: {  	v2 =	vmul.f32 v2, v49;
	v61 =	vsub.f32 $1.000000000e+00, v55;
	v60 =	vsub.f32 $1.000000000e+00, v6  }
0x105: {  	v7 =	vmul.f32 v52, v57;
	v1 =	vadd.f32 $5.000000000e-01, v1;
	v8 =	vmul.f32 v59, v0  }
0x106: {  	v2 =	vadd.f32 v2, v3;
	v3 =	vmul.f32 v60, v55  }
0x107: {  	v62 =	vadd.f32 v7, v5;
	v63 =	vmul.f32 v6, v61;
	v1 =	vadd.f32 v8, v1  }
0x108: {  	v2 =	vadd.f32 v3, v2  }
0x109: {  	v3 =	vadd.f32 v63, v62;
	v1 =	vadd.f32 v1, v1;
	_ =	sdelay $0x1  }
0x10a: {  	v3 =	vmul.f32 $6.103515630e-05, v3;
	v2 =	vmul.f32 $3.051757810e-05, v2;
	v1 =	vadd.f32 $-6.740000000e+02, v1  }
0x10b: {  	[tilespmem:s16+$0x800] =	vst v6  }
0x10c: {  	[hbm4b:s12+s3] =	stream.linear.scatter [tilespmem:s31], [sflag:$0x3], $0x200, $0x38;
	v2 =	vadd.f32 v2, v3;
	v1 =	vmul.f32 $1.000000010e-07, v1;
	[tilespmem:$0x3690] =	vst v63  }
0x10d: {  	_ =	swait.ge [sflag:s17], $0x200  }
0x10e: {  	[sflag:s17] =	ssyncset.done $0x0;
	v1 =	vadd.f32 v2, v1  }
0x10f: {  	[sflag:s17] =	ssyncadd.s32 $0xFFFFFE00  }
0x110: {  	[tilespmem:$0x3500] =	vst v1  }
0x111: {  	[spmem:s13] =	stream.linear.scatter [tilespmem:s1], [sflag:$0x3], $0x10, $0x38;
	[tilespmem:$0x3690] =	vst v63  }
0x112: {  	_ =	swait.ge [sflag:s17], $0x10  }
0x113: {  	[sflag:s17] =	ssyncset.done $0x0  }
0x114: {  	[sflag:s17] =	ssyncadd.s32 $0xFFFFFFF0  }
0x115: {  	[bflag:$0x0] =	sbarrier.arrive $0xFFFF  }
0x116: {  	s16 =	simm.s32 @!p0 $0x3580;
	s21 =	rddreg [dreg:$0x6]  }
0x117: {  	[tilespmem:s16], [sflag:$0x3] =	stream.linear.gather @!p0 [spmem:s21], $0x100, $0x38;
	[tilespmem:$0x3690] =	vst v63  }
0x118: {  	s16 =	simm.s32 @!p0 $0x3  }
0x119: {  	_ =	swait.ge @!p0 [sflag:s16], $0x100  }
0x11a: {  	[sflag:s16] =	ssyncset.done @!p0 $0x0  }
0x11b: {  	[sflag:s16] =	ssyncadd.s32 @!p0 $0xFFFFFF00  }
0x11c: {  	v1 =	vld @!p0 [tilespmem:$0x3580];
	_ =	sdelay $0x1  }
0x11d: {  	v2 =	vld @!p0 [tilespmem:$0x3590];
	_ =	sdelay $0x1  }
0x11e: {  	v3 =	vld @!p0 [tilespmem:$0x35A0]  }
0x11f: {  	v1 =	vadd.f32 @!p0 $0.0e+00, v1  }
0x120: {  	v4 =	vld @!p0 [tilespmem:$0x35B0]  }
0x121: {  	v1 =	vadd.f32 @!p0 v2, v1  }
0x122: {  	v2 =	vld @!p0 [tilespmem:$0x35C0]  }
0x123: {  	v1 =	vadd.f32 @!p0 v3, v1  }
0x124: {  	v3 =	vld @!p0 [tilespmem:$0x35D0]  }
0x125: {  	v1 =	vadd.f32 @!p0 v4, v1  }
0x126: {  	v4 =	vld @!p0 [tilespmem:$0x35E0]  }
0x127: {  	v1 =	vadd.f32 @!p0 v2, v1  }
0x128: {  	v2 =	vld @!p0 [tilespmem:$0x35F0]  }
0x129: {  	v1 =	vadd.f32 @!p0 v3, v1  }
0x12a: {  	v3 =	vld @!p0 [tilespmem:$0x3600]  }
0x12b: {  	v1 =	vadd.f32 @!p0 v4, v1  }
0x12c: {  	v4 =	vld @!p0 [tilespmem:$0x3610]  }
0x12d: {  	v1 =	vadd.f32 @!p0 v2, v1  }
0x12e: {  	v2 =	vld @!p0 [tilespmem:$0x3620]  }
0x12f: {  	v1 =	vadd.f32 @!p0 v3, v1  }
0x130: {  	v3 =	vld @!p0 [tilespmem:$0x3630]  }
0x131: {  	v1 =	vadd.f32 @!p0 v4, v1  }
0x132: {  	v4 =	vld @!p0 [tilespmem:$0x3640]  }
0x133: {  	v1 =	vadd.f32 @!p0 v2, v1  }
0x134: {  	v2 =	vld @!p0 [tilespmem:$0x3650]  }
0x135: {  	v1 =	vadd.f32 @!p0 v3, v1  }
0x136: {  	v3 =	vld @!p0 [tilespmem:$0x3660]  }
0x137: {  	v1 =	vadd.f32 @!p0 v4, v1  }
0x138: {  	v4 =	vld @!p0 [tilespmem:$0x3670]  }
0x139: {  	v1 =	vadd.f32 @!p0 v2, v1;
	_ =	sdelay $0x1  }
0x13a: {  	v1 =	vadd.f32 @!p0 v3, v1;
	_ =	sdelay $0x1  }
0x13b: {  	s2 =	sadd.s32 $0x1, s2;
	v1 =	vadd.f32 @!p0 v4, v1  }
0x13c: {  	p1 =	sne.s32 s2, s15  }
.Ltmp2:
0x13d: {  	s22 =	simm.s32 @!p0 $0x3500;
	s21 =	simm.s32 @!p0 $0x0;
	[tilespmem:$0x3500] =	vst @!p0 v1;
	(pc) =	sbr.rel @p1 .LBB2_1-.Ltmp2, $4  }
0x13e: {  	[hbm4b:s14+s21] =	stream.linear.scatter @!p0 [tilespmem:s22], [sflag:$0x3], $0x80, $0x38;
	[tilespmem:$0x3690] =	vst v63  }
0x13f: {  	_ =	swait.ge @!p0 [sflag:s16], $0x80  }
0x140: {  	[sflag:s16] =	ssyncset.done @!p0 $0x0  }
0x141: {  	[sflag:s16] =	ssyncadd.s32 @!p0 $0xFFFFFF80  }
0x142: {  	_ =	sfence.sel $0x180000  }
0x143: {  	[bflag:$0x0] =	sbarrier.arrive $0xFFFF  }
0x144: {  	_ =	strace $0x90000047  }
0x145: {  	[bflag:$0x2] =	sbarrier.arrive $0xFFFF  }
0x146: {  	s0 =	rddreg [dreg:$0x7]  }
0x147: {  	s0 =	sadd.s32 @!p0 $0x100000, s0  }
0x148: {  	[sflag:s0] =	ssyncadd.tile.s32 @!p0 $0x1;
	_ =	shalt  }
.Lfunc_end2:
_tile_overlayer_lowered:
.L_overlay_start_2:
0x149: {  	(tag) =	ssettag $0x2  }
0x14a: {  	s0 =	rddreg [dreg:$0x0];
	s2 =	stileid.u32  }
0x14b: {  	s1 =	rddreg [dreg:$0x1];
	p0 =	sne.s32 s2, $0x0  }
0x14c: {  	s3 =	rddreg [dreg:$0x2];
	[bflag:$0x3] =	sbarrier.arrive $0xFFFF;
	s2 =	simm.s32 @!p0 $0x1C03  }
0x14d: {  	[timem:s3], [sflag:s2] =	dma.local @!p0 [hbm:s0], s1  }
0x14e: {  	s0 =	simm.s32 @!p0 $0x3  }
0x14f: {  	_ =	swait.ge @!p0 [sflag:s0], s1  }
0x150: {  	s1 =	ssub.s32 @!p0 $0x0, s1;
	[sflag:s0] =	ssyncset.done @!p0 $0x0  }
0x151: {  	[sflag:s0] =	ssyncadd.s32 @!p0 s1  }
0x152: {  	[bflag:$0x3] =	sbarrier.arrive $0xFFFF  }
0x153: {  	_ =	shalt  }

</sc_bundles>
